<compile_context>
chip_gen: v7x
topology: tpu7x:2x2x1
jax: 0.10.2.dev20260603
libtpu: 0.0.44.dev20260713+nightly
codegen_flags: <defaults>
</compile_context>

<pallas_src>
import functools

import jax
import jax.numpy as jnp
from jax import lax
from jax.experimental import pallas as pl
from jax.experimental.pallas import tpu as pltpu
from jax.experimental.pallas import tpu_sc as plsc

N = 10000
E = 160000
D = 256
NQ = 4
Q = D // NQ
NC = 2
NS = 16
NW = NC * NS
NP = 10240
RPW = NP // NS

KD = 40
CHD = E // (NW * KD)

KM = 80
CHM = E // (NS * KM)
NBUF = 4
GLEAD = 2
LOOPN = (CHM + NBUF - GLEAD + NBUF - 1) // NBUF * NBUF

def _sc_degrees_body(ei_hbm, z16_hbm, out_hbm, idx_v, ones_v, acc_sh, semd):
    c = lax.axis_index("c")
    s = lax.axis_index("s")
    wid = c * NS + s
    pltpu.sync_copy(ei_hbm.at[0].at[wid], idx_v)

    @pl.loop(0, KD)
    def _fill(i):
        ones_v[i, :] = jnp.full((16,), 1.0, jnp.float32)

    pltpu.sync_copy(z16_hbm.at[pl.ds(s * RPW, RPW)],
                    acc_sh.at[pl.ds(s * RPW, RPW)])
    plsc.subcore_barrier()

    @pl.loop(0, CHD)
    def _scatter(j):
        pltpu.async_copy(ones_v, acc_sh.at[idx_v.at[j]], semd, add=True)

    @pl.loop(0, CHD)
    def _drain(j):
        pltpu.make_async_copy(ones_v, acc_sh.at[idx_v.at[j]], semd).wait()

    plsc.subcore_barrier()
    pltpu.sync_copy(acc_sh.at[pl.ds(s * RPW, RPW)],
                    out_hbm.at[pl.ds(s * RPW, RPW), pl.ds(c * 16, 16)])


def _sc_aggregate_body(ei_hbm, y_hbm, z_hbm, out_hbm,
                       ridx, cidx, rows, acc_sh, semg, sems):
    c = lax.axis_index("c")
    s = lax.axis_index("s")
    pltpu.sync_copy(ei_hbm.at[0].at[s], ridx)
    pltpu.sync_copy(ei_hbm.at[1].at[s], cidx)

    for p in range(2):
        q = c * 2 + p
        if p == 0:
            dvec = jnp.broadcast_to((c * 2).astype(jnp.int32), (16,))

            @pl.loop(0, CHM)
            def _shift(i):
                for k in range(KM // 16):
                    sl = pl.ds(k * 16, 16)
                    cidx[i, sl] = (cidx[i, sl] << 2) + dvec
        else:
            dvec = jnp.full((16,), 1, jnp.int32)

            @pl.loop(0, CHM)
            def _shift(i):
                for k in range(KM // 16):
                    sl = pl.ds(k * 16, 16)
                    cidx[i, sl] = cidx[i, sl] + dvec

        pltpu.sync_copy(z_hbm.at[pl.ds(s * RPW, RPW)],
                        acc_sh.at[pl.ds(s * RPW, RPW)])
        plsc.subcore_barrier()

        for b in range(GLEAD):
            pltpu.async_copy(y_hbm.at[cidx.at[b]], rows.at[b], semg.at[b])

        @pl.loop(0, LOOPN, step=NBUF)
        def _agg(j):
            for b in range(NBUF):
                jj = j + b
                bf = (b + GLEAD) % NBUF
                jdrain = jj + GLEAD - NBUF

                @pl.when(jnp.logical_and(jdrain >= 0, jdrain <= CHM - 1))
                def _():
                    pltpu.make_async_copy(
                        rows.at[bf], acc_sh.at[ridx.at[jdrain]],
                        sems.at[bf]).wait()

                @pl.when(jj + GLEAD < CHM)
                def _():
                    pltpu.async_copy(y_hbm.at[cidx.at[jj + GLEAD]],
                                     rows.at[bf], semg.at[bf])

                @pl.when(jj < CHM)
                def _():
                    pltpu.make_async_copy(
                        y_hbm.at[cidx.at[jj]], rows.at[b], semg.at[b]).wait()
                    pltpu.async_copy(rows.at[b], acc_sh.at[ridx.at[jj]],
                                     sems.at[b], add=True)

        plsc.subcore_barrier()
        pltpu.sync_copy(acc_sh.at[pl.ds(s * RPW, RPW)],
                        out_hbm.at[pl.ds(c * NP + s * RPW, RPW),
                                   pl.ds(p * Q, Q)])


@functools.cache
def _build_sc_kernels():
    mesh = plsc.VectorSubcoreMesh(
        core_axis_name="c", subcore_axis_name="s",
        num_cores=NC, num_subcores=NS)
    sc_degrees = pl.kernel(
        _sc_degrees_body,
        out_type=jax.ShapeDtypeStruct((NP, 128), jnp.float32),
        mesh=mesh,
        scratch_types=[
            pltpu.VMEM((CHD, KD), jnp.int32),
            pltpu.VMEM((KD, 16), jnp.float32),
            pltpu.VMEM_SHARED((NP, 16), jnp.float32),
            pltpu.SemaphoreType.DMA,
        ],
        compiler_params=pltpu.CompilerParams(use_tc_tiling_on_sc=False),
    )
    sc_aggregate = pl.kernel(
        _sc_aggregate_body,
        out_type=jax.ShapeDtypeStruct((NC * NP, 128), jnp.float32),
        mesh=mesh,
        scratch_types=[
            pltpu.VMEM((CHM, KM), jnp.int32),
            pltpu.VMEM((CHM, KM), jnp.int32),
            pltpu.VMEM((NBUF, KM, Q), jnp.float32),
            pltpu.VMEM_SHARED((NP, Q), jnp.float32),
            pltpu.SemaphoreType.DMA((NBUF,)),
            pltpu.SemaphoreType.DMA((NBUF,)),
        ],
        compiler_params=pltpu.CompilerParams(use_tc_tiling_on_sc=False),
    )
    return sc_degrees, sc_aggregate


_BR = 2000


def _dis_block(d_ref):
    deg = d_ref[:, 0:1] + d_ref[:, 16:17]
    return jnp.where(deg > 0.0, lax.rsqrt(deg), 0.0)


def _matmul_body(x_ref, w_ref, y_ref):
    y_ref[...] = jnp.dot(x_ref[...], w_ref[...],
                         preferred_element_type=jnp.float32)


def _tc_matmul(x, w):
    return pl.pallas_call(
        _matmul_body,
        grid=(N // _BR,),
        in_specs=[
            pl.BlockSpec((_BR, D), lambda i: (i, 0)),
            pl.BlockSpec((D, D), lambda i: (0, 0)),
        ],
        out_specs=pl.BlockSpec((_BR, D), lambda i: (i, 0)),
        out_shape=jax.ShapeDtypeStruct((N, D), jnp.float32),
    )(x, w)


def _pack_body(y_ref, d_ref, o_ref):
    y = y_ref[...] * _dis_block(d_ref)
    o_ref[...] = y.reshape(2 * _BR, 128)


def _tc_pack(y, deg2):
    return pl.pallas_call(
        _pack_body,
        grid=(N // _BR,),
        in_specs=[
            pl.BlockSpec((_BR, D), lambda i: (i, 0)),
            pl.BlockSpec((_BR, 128), lambda i: (i, 0)),
        ],
        out_specs=pl.BlockSpec((2 * _BR, 128), lambda i: (i, 0)),
        out_shape=jax.ShapeDtypeStruct((2 * N, 128), jnp.float32),
    )(y, deg2)


def _final_body(s_ref, d_ref, b_ref, o_ref):
    dis = _dis_block(d_ref)
    h = jnp.concatenate([s_ref[0], s_ref[1]], axis=1)
    o_ref[...] = jnp.maximum(h * dis + b_ref[...], 0.0)


def _tc_final(s_parts, deg2, bias):
    return pl.pallas_call(
        _final_body,
        grid=(N // _BR,),
        in_specs=[
            pl.BlockSpec((NC, _BR, 128), lambda i: (0, i, 0)),
            pl.BlockSpec((_BR, 128), lambda i: (i, 0)),
            pl.BlockSpec((1, D), lambda i: (0, 0)),
        ],
        out_specs=pl.BlockSpec((_BR, D), lambda i: (i, 0)),
        out_shape=jax.ShapeDtypeStruct((N, D), jnp.float32),
    )(s_parts, deg2, bias)


def kernel(features, edge_index, weight, bias):
    features = features.astype(jnp.float32)
    ei = edge_index.astype(jnp.int32)

    sc_degrees, sc_aggregate = _build_sc_kernels()
    y = _tc_matmul(features, weight)
    deg2 = sc_degrees(ei.reshape(2, NW, CHD, KD),
                      jnp.zeros((NP, 16), jnp.float32))

    ystack = _tc_pack(y, deg2).reshape(NQ * N, Q)

    s_parts = sc_aggregate(
        ei.reshape(2, NS, CHM, KM),
        ystack,
        jnp.zeros((NP, Q), jnp.float32),
    ).reshape(NC, NP, 128)

    return _tc_final(s_parts, deg2, bias.reshape(1, D))

# --- scband reference (transcript-rebuilt; emitter-appended) ---
"""Pipeline reference for scband-graph-conv-layer-25245817766095 (READ-ONLY COPY).

The authoritative reference and input builder live on the scoring server;
editing this copy changes nothing except your own understanding.
"""

import jax, jax.numpy as jnp
import numpy as np

N_NODES = 10000
N_EDGES = 160000
D_IN = 256
D_OUT = 256


def setup_inputs(seed: int = 0) -> dict:
    key = jax.random.key(seed)
    k1, k2, k3 = jax.random.split(key, 3)
    features = jax.random.normal(k1, (N_NODES, D_IN), dtype=jnp.float32)
    edge_index = jax.random.randint(k2, (2, N_EDGES), 0, N_NODES, dtype=jnp.int64)
    # glorot uniform for weight
    limit = np.sqrt(6.0 / (D_IN + D_OUT))
    weight = jax.random.uniform(k3, (D_IN, D_OUT), dtype=jnp.float32, minval=-limit, maxval=limit)
    bias = jnp.zeros((D_OUT,), dtype=jnp.float32)
    return {"features": features, "edge_index": edge_index, "weight": weight, "bias": bias}


def reference(features, edge_index, weight, bias):
    features = features.astype(jnp.float32)
    row = edge_index[0]
    col = edge_index[1]
    num_nodes = features.shape[0]
    # degree = row-sum of binary adjacency (each edge contributes 1.0 to its row)
    ones = jnp.ones((row.shape[0],), dtype=jnp.float32)
    degrees = jnp.zeros((num_nodes,), dtype=jnp.float32).at[row].add(ones)
    deg_inv_sqrt = jnp.power(degrees, -0.5)
    deg_inv_sqrt = jnp.where(jnp.isfinite(deg_inv_sqrt), deg_inv_sqrt, jnp.zeros_like(deg_inv_sqrt))
    # symmetric normalization of edge values
    scaled_values = ones * jnp.take(deg_inv_sqrt, row) * jnp.take(deg_inv_sqrt, col)
    # sparse @ dense: out[i] = sum_{e: row[e]=i} scaled_values[e] * features[col[e]]
    msgs = jnp.take(features, col, axis=0) * scaled_values[:, None]
    propagated = jnp.zeros((num_nodes, features.shape[1]), dtype=jnp.float32).at[row].add(msgs)
    h = propagated @ weight
    h = h + bias
    h = jax.nn.relu(h)
    return h

if __name__ == "__main__":
    import jax
    _d = setup_inputs()
    print(jax.jit(kernel)(*tuple(_d.values())))

</pallas_src>

<mosaic_0001>
#map = affine_map<(d0, d1) -> (0, 0, 0, 0)>
#map1 = affine_map<(d0, d1) -> (0, 0)>
module attributes {stable_mosaic.version = 14 : i64} {
  func.func @_sc_degrees_body(%arg0: i32, %arg1: i32, %arg2: memref<2x32x125x40xi32, #tpu.memory_space<hbm>>, %arg3: memref<10240x16xf32, #tpu.memory_space<hbm>>, %arg4: memref<10240x128xf32, #tpu.memory_space<hbm>>, %arg5: memref<125x40xi32, #tpu.memory_space<vmem>>, %arg6: memref<40x16xf32, #tpu.memory_space<vmem>>, %arg7: memref<10240x16xf32, #tpu.memory_space<vmem_shared>>, %arg8: memref<!tpu.dma_semaphore, #tpu.memory_space<semaphore_mem>>) attributes {dimension_semantics = [#tpu.dimension_semantics<core_parallel>, #tpu.dimension_semantics<subcore_parallel>], iteration_bounds = array<i64: 2, 16>, scalar_prefetch = 0 : i64, scratch_operands = 4 : i64, tpu.core_type = #tpu.core_type<sc_vector_subcore>, window_params = [{transform_indices = #map}, {transform_indices = #map1}, {transform_indices = #map1}]} {
    %mul3A = arith.constant 16 : i32
    %mul3A_0 = arith.muli %arg0, %mul3A : i32
    %add3A = arith.addi %mul3A_0, %arg1 : i32
    %run_scoped3A = arith.constant 0 : i32
    "tpu.region"() ({
      %run_scoped3A_26 = tpu.sem_alloc : memref<!tpu.dma_semaphore, #tpu.memory_space<semaphore_mem>>
      %dma_start3A = arith.constant 0 : i32
      %dma_start3A_27 = arith.constant 0 : i32
      %dma_start3A_28 = arith.constant 0 : i32
      %dma_start3A_29 = tpu.memref_slice %arg2[%run_scoped3A, %dma_start3A, %dma_start3A_27, %dma_start3A_28] : memref<2x32x125x40xi32, #tpu.memory_space<hbm>> -> memref<1x32x125x40xi32, #tpu.memory_space<hbm>>
      %dma_start3A_30 = tpu.memref_squeeze %dma_start3A_29 : memref<1x32x125x40xi32, #tpu.memory_space<hbm>> -> memref<32x125x40xi32, #tpu.memory_space<hbm>>
      %dma_start3A_31 = arith.constant 0 : i32
      %dma_start3A_32 = arith.constant 0 : i32
      %dma_start3A_33 = tpu.memref_slice %dma_start3A_30[%add3A, %dma_start3A_31, %dma_start3A_32] : memref<32x125x40xi32, #tpu.memory_space<hbm>> -> memref<1x125x40xi32, #tpu.memory_space<hbm>>
      %dma_start3A_34 = tpu.memref_squeeze %dma_start3A_33 : memref<1x125x40xi32, #tpu.memory_space<hbm>> -> memref<125x40xi32, #tpu.memory_space<hbm>>
      %dma_start3A_35 = arith.constant 0 : i32
      %dma_start3A_36 = arith.constant 0 : i32
      %dma_start3A_37 = arith.constant 0 : i32
      %dma_start3A_38 = tpu.memref_slice %arg2[%run_scoped3A, %dma_start3A_35, %dma_start3A_36, %dma_start3A_37] : memref<2x32x125x40xi32, #tpu.memory_space<hbm>> -> memref<1x32x125x40xi32, #tpu.memory_space<hbm>>
      %dma_start3A_39 = tpu.memref_squeeze %dma_start3A_38 : memref<1x32x125x40xi32, #tpu.memory_space<hbm>> -> memref<32x125x40xi32, #tpu.memory_space<hbm>>
      %dma_start3A_40 = arith.constant 0 : i32
      %dma_start3A_41 = arith.constant 0 : i32
      %dma_start3A_42 = tpu.memref_slice %dma_start3A_39[%add3A, %dma_start3A_40, %dma_start3A_41] : memref<32x125x40xi32, #tpu.memory_space<hbm>> -> memref<1x125x40xi32, #tpu.memory_space<hbm>>
      %dma_start3A_43 = tpu.memref_squeeze %dma_start3A_42 : memref<1x125x40xi32, #tpu.memory_space<hbm>> -> memref<125x40xi32, #tpu.memory_space<hbm>>
      tpu.enqueue_dma source(%dma_start3A_43 : memref<125x40xi32, #tpu.memory_space<hbm>>) target(%arg5 : memref<125x40xi32, #tpu.memory_space<vmem>>) target_semaphore(%run_scoped3A_26 : memref<!tpu.dma_semaphore, #tpu.memory_space<semaphore_mem>>)
      %dma_wait3A = arith.constant 0 : i32
      %dma_wait3A_44 = arith.constant 0 : i32
      %dma_wait3A_45 = arith.constant 0 : i32
      %dma_wait3A_46 = tpu.memref_slice %arg2[%run_scoped3A, %dma_wait3A, %dma_wait3A_44, %dma_wait3A_45] : memref<2x32x125x40xi32, #tpu.memory_space<hbm>> -> memref<1x32x125x40xi32, #tpu.memory_space<hbm>>
      %dma_wait3A_47 = tpu.memref_squeeze %dma_wait3A_46 : memref<1x32x125x40xi32, #tpu.memory_space<hbm>> -> memref<32x125x40xi32, #tpu.memory_space<hbm>>
      %dma_wait3A_48 = arith.constant 0 : i32
      %dma_wait3A_49 = arith.constant 0 : i32
      %dma_wait3A_50 = tpu.memref_slice %dma_wait3A_47[%add3A, %dma_wait3A_48, %dma_wait3A_49] : memref<32x125x40xi32, #tpu.memory_space<hbm>> -> memref<1x125x40xi32, #tpu.memory_space<hbm>>
      %dma_wait3A_51 = tpu.memref_squeeze %dma_wait3A_50 : memref<1x125x40xi32, #tpu.memory_space<hbm>> -> memref<125x40xi32, #tpu.memory_space<hbm>>
      %dma_wait3A_52 = arith.constant 0 : i32
      %dma_wait3A_53 = arith.constant 0 : i32
      %dma_wait3A_54 = arith.constant 0 : i32
      %dma_wait3A_55 = tpu.memref_slice %arg2[%run_scoped3A, %dma_wait3A_52, %dma_wait3A_53, %dma_wait3A_54] : memref<2x32x125x40xi32, #tpu.memory_space<hbm>> -> memref<1x32x125x40xi32, #tpu.memory_space<hbm>>
      %dma_wait3A_56 = tpu.memref_squeeze %dma_wait3A_55 : memref<1x32x125x40xi32, #tpu.memory_space<hbm>> -> memref<32x125x40xi32, #tpu.memory_space<hbm>>
      %dma_wait3A_57 = arith.constant 0 : i32
      %dma_wait3A_58 = arith.constant 0 : i32
      %dma_wait3A_59 = tpu.memref_slice %dma_wait3A_56[%add3A, %dma_wait3A_57, %dma_wait3A_58] : memref<32x125x40xi32, #tpu.memory_space<hbm>> -> memref<1x125x40xi32, #tpu.memory_space<hbm>>
      %dma_wait3A_60 = tpu.memref_squeeze %dma_wait3A_59 : memref<1x125x40xi32, #tpu.memory_space<hbm>> -> memref<125x40xi32, #tpu.memory_space<hbm>>
      tpu.wait_dma2 semaphore(%run_scoped3A_26 : memref<!tpu.dma_semaphore, #tpu.memory_space<semaphore_mem>>) src(%dma_wait3A_60 : memref<125x40xi32, #tpu.memory_space<hbm>>) dst(%arg5 : memref<125x40xi32, #tpu.memory_space<vmem>>)
      tpu.yield
    }) : () -> ()
    %scan3A = arith.constant 0 : i32
    %scan3A_1 = arith.constant 40 : i32
    %scan3A_2 = arith.addi %scan3A, %scan3A_1 : i32
    %scan3A_3 = arith.constant 1 : i32
    scf.for %scan3A_26 = %scan3A to %scan3A_2 step %scan3A_3  : i32 {
      %mul3A_27 = arith.constant 1 : i32
      %mul3A_28 = arith.muli %scan3A_26, %mul3A_27 : i32
      %add3A_29 = arith.constant 0 : i32
      %add3A_30 = arith.addi %add3A_29, %mul3A_28 : i32
      %broadcast_in_dim3A = arith.constant 1.000000e+00 : f32
      %broadcast_in_dim3A_31 = vector.broadcast %broadcast_in_dim3A : f32 to vector<16xf32>
      %swap3A = arith.index_cast %add3A_30 : i32 to index
      %swap3A_32 = arith.constant 0 : index
      %swap3A_33 = tpu.vector_load %arg6[%swap3A, %swap3A_32] {strides = array<i32>} : memref<40x16xf32, #tpu.memory_space<vmem>>, vector<1x16xf32>,
      %swap3A_34 = vector.shape_cast %swap3A_33 : vector<1x16xf32> to vector<16xf32>
      %swap3A_35 = vector.shape_cast %broadcast_in_dim3A_31 : vector<16xf32> to vector<1x16xf32>
      tpu.vector_store %arg6[%swap3A, %swap3A_32], %swap3A_35 {strides = array<i32>} : memref<40x16xf32, #tpu.memory_space<vmem>>, vector<1x16xf32>,
    }
    %scan3A_4 = arith.constant 40 : i32
    %mul3A_5 = arith.constant 640 : i32
    %mul3A_6 = arith.muli %arg1, %mul3A_5 : i32
    %mul3A_7 = arith.constant 640 : i32
    %mul3A_8 = arith.muli %arg1, %mul3A_7 : i32
    "tpu.region"() ({
      %run_scoped3A_26 = tpu.sem_alloc : memref<!tpu.dma_semaphore, #tpu.memory_space<semaphore_mem>>
      %dma_start3A = arith.constant 0 : i32
      %dma_start3A_27 = tpu.memref_slice %arg7[%mul3A_8, %dma_start3A] : memref<10240x16xf32, #tpu.memory_space<vmem_shared>> -> memref<640x16xf32, #tpu.memory_space<vmem_shared>>
      %dma_start3A_28 = arith.constant 0 : i32
      %dma_start3A_29 = tpu.memref_slice %arg3[%mul3A_6, %dma_start3A_28] : memref<10240x16xf32, #tpu.memory_space<hbm>> -> memref<640x16xf32, #tpu.memory_space<hbm>>
      tpu.enqueue_dma source(%dma_start3A_29 : memref<640x16xf32, #tpu.memory_space<hbm>>) target(%dma_start3A_27 : memref<640x16xf32, #tpu.memory_space<vmem_shared>>) target_semaphore(%run_scoped3A_26 : memref<!tpu.dma_semaphore, #tpu.memory_space<semaphore_mem>>)
      %dma_wait3A = arith.constant 0 : i32
      %dma_wait3A_30 = tpu.memref_slice %arg7[%mul3A_8, %dma_wait3A] : memref<10240x16xf32, #tpu.memory_space<vmem_shared>> -> memref<640x16xf32, #tpu.memory_space<vmem_shared>>
      %dma_wait3A_31 = arith.constant 0 : i32
      %dma_wait3A_32 = tpu.memref_slice %arg3[%mul3A_6, %dma_wait3A_31] : memref<10240x16xf32, #tpu.memory_space<hbm>> -> memref<640x16xf32, #tpu.memory_space<hbm>>
      tpu.wait_dma2 semaphore(%run_scoped3A_26 : memref<!tpu.dma_semaphore, #tpu.memory_space<semaphore_mem>>) src(%dma_wait3A_32 : memref<640x16xf32, #tpu.memory_space<hbm>>) dst(%dma_wait3A_30 : memref<640x16xf32, #tpu.memory_space<vmem_shared>>)
      tpu.yield
    }) : () -> ()
    %barrier3A = arith.constant 0 : index
    tpu.barrier barrier_id(%barrier3A)
    %scan3A_9 = arith.constant 0 : i32
    %scan3A_10 = arith.constant 125 : i32
    %scan3A_11 = arith.addi %scan3A_9, %scan3A_10 : i32
    %scan3A_12 = arith.constant 1 : i32
    scf.for %scan3A_26 = %scan3A_9 to %scan3A_11 step %scan3A_12  : i32 {
      %mul3A_27 = arith.constant 1 : i32
      %mul3A_28 = arith.muli %scan3A_26, %mul3A_27 : i32
      %add3A_29 = arith.constant 0 : i32
      %add3A_30 = arith.addi %add3A_29, %mul3A_28 : i32
      %dma_start3A = arith.constant 0 : i32
      %dma_start3A_31 = tpu.memref_slice %arg5[%add3A_30, %dma_start3A] : memref<125x40xi32, #tpu.memory_space<vmem>> -> memref<1x40xi32, #tpu.memory_space<vmem>>
      %dma_start3A_32 = tpu.memref_squeeze %dma_start3A_31 : memref<1x40xi32, #tpu.memory_space<vmem>> -> memref<40xi32, #tpu.memory_space<vmem>>
      %dma_start3A_33 = arith.constant 0 : i32
      %dma_start3A_34 = arith.constant 0 : i32
      %dma_start3A_35 = tpu.memref_slice %arg7[%dma_start3A_33, %dma_start3A_34] : memref<10240x16xf32, #tpu.memory_space<vmem_shared>> -> memref<10240x16xf32, #tpu.memory_space<vmem_shared>>
      tpu.enqueue_indirect_dma source(%arg6 : memref<40x16xf32, #tpu.memory_space<vmem>>) target(%dma_start3A_35 : memref<10240x16xf32, #tpu.memory_space<vmem_shared>>) offsets(%dma_start3A_32 : memref<40xi32, #tpu.memory_space<vmem>>) semaphore(%arg8 : memref<!tpu.dma_semaphore, #tpu.memory_space<semaphore_mem>>) {add = true}
    }
    %scan3A_13 = arith.constant 125 : i32
    %scan3A_14 = arith.constant 0 : i32
    %scan3A_15 = arith.constant 125 : i32
    %scan3A_16 = arith.addi %scan3A_14, %scan3A_15 : i32
    %scan3A_17 = arith.constant 1 : i32
    scf.for %scan3A_26 = %scan3A_14 to %scan3A_16 step %scan3A_17  : i32 {
      %mul3A_27 = arith.constant 1 : i32
      %mul3A_28 = arith.muli %scan3A_26, %mul3A_27 : i32
      %add3A_29 = arith.constant 0 : i32
      %add3A_30 = arith.addi %add3A_29, %mul3A_28 : i32
      %dma_wait3A = arith.constant 0 : i32
      %dma_wait3A_31 = tpu.memref_slice %arg5[%add3A_30, %dma_wait3A] : memref<125x40xi32, #tpu.memory_space<vmem>> -> memref<1x40xi32, #tpu.memory_space<vmem>>
      %dma_wait3A_32 = tpu.memref_squeeze %dma_wait3A_31 : memref<1x40xi32, #tpu.memory_space<vmem>> -> memref<40xi32, #tpu.memory_space<vmem>>
      %dma_wait3A_33 = arith.constant 0 : i32
      %dma_wait3A_34 = arith.constant 0 : i32
      %dma_wait3A_35 = tpu.memref_slice %arg7[%dma_wait3A_33, %dma_wait3A_34] : memref<10240x16xf32, #tpu.memory_space<vmem_shared>> -> memref<10240x16xf32, #tpu.memory_space<vmem_shared>>
      tpu.wait_indirect_dma semaphore(%arg8 : memref<!tpu.dma_semaphore, #tpu.memory_space<semaphore_mem>>) src(%arg6 : memref<40x16xf32, #tpu.memory_space<vmem>>) dst(%dma_wait3A_35 : memref<10240x16xf32, #tpu.memory_space<vmem_shared>>)
    }
    %scan3A_18 = arith.constant 125 : i32
    %barrier3A_19 = arith.constant 0 : index
    tpu.barrier barrier_id(%barrier3A_19)
    %mul3A_20 = arith.constant 640 : i32
    %mul3A_21 = arith.muli %arg1, %mul3A_20 : i32
    %mul3A_22 = arith.constant 640 : i32
    %mul3A_23 = arith.muli %arg1, %mul3A_22 : i32
    %mul3A_24 = arith.constant 16 : i32
    %mul3A_25 = arith.muli %arg0, %mul3A_24 : i32
    "tpu.region"() ({
      %run_scoped3A_26 = tpu.sem_alloc : memref<!tpu.dma_semaphore, #tpu.memory_space<semaphore_mem>>
      %dma_start3A = tpu.memref_slice %arg4[%mul3A_23, %mul3A_25] : memref<10240x128xf32, #tpu.memory_space<hbm>> -> memref<640x16xf32, #tpu.memory_space<hbm>>
      %dma_start3A_27 = arith.constant 0 : i32
      %dma_start3A_28 = tpu.memref_slice %arg7[%mul3A_21, %dma_start3A_27] : memref<10240x16xf32, #tpu.memory_space<vmem_shared>> -> memref<640x16xf32, #tpu.memory_space<vmem_shared>>
      tpu.enqueue_dma source(%dma_start3A_28 : memref<640x16xf32, #tpu.memory_space<vmem_shared>>) target(%dma_start3A : memref<640x16xf32, #tpu.memory_space<hbm>>) target_semaphore(%run_scoped3A_26 : memref<!tpu.dma_semaphore, #tpu.memory_space<semaphore_mem>>)
      %dma_wait3A = tpu.memref_slice %arg4[%mul3A_23, %mul3A_25] : memref<10240x128xf32, #tpu.memory_space<hbm>> -> memref<640x16xf32, #tpu.memory_space<hbm>>
      %dma_wait3A_29 = arith.constant 0 : i32
      %dma_wait3A_30 = tpu.memref_slice %arg7[%mul3A_21, %dma_wait3A_29] : memref<10240x16xf32, #tpu.memory_space<vmem_shared>> -> memref<640x16xf32, #tpu.memory_space<vmem_shared>>
      tpu.wait_dma2 semaphore(%run_scoped3A_26 : memref<!tpu.dma_semaphore, #tpu.memory_space<semaphore_mem>>) src(%dma_wait3A_30 : memref<640x16xf32, #tpu.memory_space<vmem_shared>>) dst(%dma_wait3A : memref<640x16xf32, #tpu.memory_space<hbm>>)
      tpu.yield
    }) : () -> ()
    return
  }
}

#map = affine_map<(d0, d1) -> (0, 0, 0, 0)>
#map1 = affine_map<(d0, d1) -> (0, 0)>
module attributes {stable_mosaic.version = 14 : i64} {
  func.func @_sc_aggregate_body(%arg0: i32, %arg1: i32, %arg2: memref<2x16x125x80xi32, #tpu.memory_space<hbm>>, %arg3: memref<40000x64xf32, #tpu.memory_space<hbm>>, %arg4: memref<10240x64xf32, #tpu.memory_space<hbm>>, %arg5: memref<20480x128xf32, #tpu.memory_space<hbm>>, %arg6: memref<125x80xi32, #tpu.memory_space<vmem>>, %arg7: memref<125x80xi32, #tpu.memory_space<vmem>>, %arg8: memref<4x80x64xf32, #tpu.memory_space<vmem>>, %arg9: memref<10240x64xf32, #tpu.memory_space<vmem_shared>>, %arg10: memref<4x!tpu.dma_semaphore, #tpu.memory_space<semaphore_mem>>, %arg11: memref<4x!tpu.dma_semaphore, #tpu.memory_space<semaphore_mem>>) attributes {dimension_semantics = [#tpu.dimension_semantics<core_parallel>, #tpu.dimension_semantics<subcore_parallel>], iteration_bounds = array<i64: 2, 16>, scalar_prefetch = 0 : i64, scratch_operands = 6 : i64, tpu.core_type = #tpu.core_type<sc_vector_subcore>, window_params = [{transform_indices = #map}, {transform_indices = #map1}, {transform_indices = #map1}, {transform_indices = #map1}]} {
    %run_scoped3A = arith.constant 0 : i32
    "tpu.region"() ({
      %run_scoped3A_114 = tpu.sem_alloc : memref<!tpu.dma_semaphore, #tpu.memory_space<semaphore_mem>>
      %dma_start3A_115 = arith.constant 0 : i32
      %dma_start3A_116 = arith.constant 0 : i32
      %dma_start3A_117 = arith.constant 0 : i32
      %dma_start3A_118 = tpu.memref_slice %arg2[%run_scoped3A, %dma_start3A_115, %dma_start3A_116, %dma_start3A_117] : memref<2x16x125x80xi32, #tpu.memory_space<hbm>> -> memref<1x16x125x80xi32, #tpu.memory_space<hbm>>
      %dma_start3A_119 = tpu.memref_squeeze %dma_start3A_118 : memref<1x16x125x80xi32, #tpu.memory_space<hbm>> -> memref<16x125x80xi32, #tpu.memory_space<hbm>>
      %dma_start3A_120 = arith.constant 0 : i32
      %dma_start3A_121 = arith.constant 0 : i32
      %dma_start3A_122 = tpu.memref_slice %dma_start3A_119[%arg1, %dma_start3A_120, %dma_start3A_121] : memref<16x125x80xi32, #tpu.memory_space<hbm>> -> memref<1x125x80xi32, #tpu.memory_space<hbm>>
      %dma_start3A_123 = tpu.memref_squeeze %dma_start3A_122 : memref<1x125x80xi32, #tpu.memory_space<hbm>> -> memref<125x80xi32, #tpu.memory_space<hbm>>
      %dma_start3A_124 = arith.constant 0 : i32
      %dma_start3A_125 = arith.constant 0 : i32
      %dma_start3A_126 = arith.constant 0 : i32
      %dma_start3A_127 = tpu.memref_slice %arg2[%run_scoped3A, %dma_start3A_124, %dma_start3A_125, %dma_start3A_126] : memref<2x16x125x80xi32, #tpu.memory_space<hbm>> -> memref<1x16x125x80xi32, #tpu.memory_space<hbm>>
      %dma_start3A_128 = tpu.memref_squeeze %dma_start3A_127 : memref<1x16x125x80xi32, #tpu.memory_space<hbm>> -> memref<16x125x80xi32, #tpu.memory_space<hbm>>
      %dma_start3A_129 = arith.constant 0 : i32
      %dma_start3A_130 = arith.constant 0 : i32
      %dma_start3A_131 = tpu.memref_slice %dma_start3A_128[%arg1, %dma_start3A_129, %dma_start3A_130] : memref<16x125x80xi32, #tpu.memory_space<hbm>> -> memref<1x125x80xi32, #tpu.memory_space<hbm>>
      %dma_start3A_132 = tpu.memref_squeeze %dma_start3A_131 : memref<1x125x80xi32, #tpu.memory_space<hbm>> -> memref<125x80xi32, #tpu.memory_space<hbm>>
      tpu.enqueue_dma source(%dma_start3A_132 : memref<125x80xi32, #tpu.memory_space<hbm>>) target(%arg6 : memref<125x80xi32, #tpu.memory_space<vmem>>) target_semaphore(%run_scoped3A_114 : memref<!tpu.dma_semaphore, #tpu.memory_space<semaphore_mem>>)
      %dma_wait3A = arith.constant 0 : i32
      %dma_wait3A_133 = arith.constant 0 : i32
      %dma_wait3A_134 = arith.constant 0 : i32
      %dma_wait3A_135 = tpu.memref_slice %arg2[%run_scoped3A, %dma_wait3A, %dma_wait3A_133, %dma_wait3A_134] : memref<2x16x125x80xi32, #tpu.memory_space<hbm>> -> memref<1x16x125x80xi32, #tpu.memory_space<hbm>>
      %dma_wait3A_136 = tpu.memref_squeeze %dma_wait3A_135 : memref<1x16x125x80xi32, #tpu.memory_space<hbm>> -> memref<16x125x80xi32, #tpu.memory_space<hbm>>
      %dma_wait3A_137 = arith.constant 0 : i32
      %dma_wait3A_138 = arith.constant 0 : i32
      %dma_wait3A_139 = tpu.memref_slice %dma_wait3A_136[%arg1, %dma_wait3A_137, %dma_wait3A_138] : memref<16x125x80xi32, #tpu.memory_space<hbm>> -> memref<1x125x80xi32, #tpu.memory_space<hbm>>
      %dma_wait3A_140 = tpu.memref_squeeze %dma_wait3A_139 : memref<1x125x80xi32, #tpu.memory_space<hbm>> -> memref<125x80xi32, #tpu.memory_space<hbm>>
      %dma_wait3A_141 = arith.constant 0 : i32
      %dma_wait3A_142 = arith.constant 0 : i32
      %dma_wait3A_143 = arith.constant 0 : i32
      %dma_wait3A_144 = tpu.memref_slice %arg2[%run_scoped3A, %dma_wait3A_141, %dma_wait3A_142, %dma_wait3A_143] : memref<2x16x125x80xi32, #tpu.memory_space<hbm>> -> memref<1x16x125x80xi32, #tpu.memory_space<hbm>>
      %dma_wait3A_145 = tpu.memref_squeeze %dma_wait3A_144 : memref<1x16x125x80xi32, #tpu.memory_space<hbm>> -> memref<16x125x80xi32, #tpu.memory_space<hbm>>
      %dma_wait3A_146 = arith.constant 0 : i32
      %dma_wait3A_147 = arith.constant 0 : i32
      %dma_wait3A_148 = tpu.memref_slice %dma_wait3A_145[%arg1, %dma_wait3A_146, %dma_wait3A_147] : memref<16x125x80xi32, #tpu.memory_space<hbm>> -> memref<1x125x80xi32, #tpu.memory_space<hbm>>
      %dma_wait3A_149 = tpu.memref_squeeze %dma_wait3A_148 : memref<1x125x80xi32, #tpu.memory_space<hbm>> -> memref<125x80xi32, #tpu.memory_space<hbm>>
      tpu.wait_dma2 semaphore(%run_scoped3A_114 : memref<!tpu.dma_semaphore, #tpu.memory_space<semaphore_mem>>) src(%dma_wait3A_149 : memref<125x80xi32, #tpu.memory_space<hbm>>) dst(%arg6 : memref<125x80xi32, #tpu.memory_space<vmem>>)
      tpu.yield
    }) : () -> ()
    %run_scoped3A_0 = arith.constant 1 : i32
    "tpu.region"() ({
      %run_scoped3A_114 = tpu.sem_alloc : memref<!tpu.dma_semaphore, #tpu.memory_space<semaphore_mem>>
      %dma_start3A_115 = arith.constant 0 : i32
      %dma_start3A_116 = arith.constant 0 : i32
      %dma_start3A_117 = arith.constant 0 : i32
      %dma_start3A_118 = tpu.memref_slice %arg2[%run_scoped3A_0, %dma_start3A_115, %dma_start3A_116, %dma_start3A_117] : memref<2x16x125x80xi32, #tpu.memory_space<hbm>> -> memref<1x16x125x80xi32, #tpu.memory_space<hbm>>
      %dma_start3A_119 = tpu.memref_squeeze %dma_start3A_118 : memref<1x16x125x80xi32, #tpu.memory_space<hbm>> -> memref<16x125x80xi32, #tpu.memory_space<hbm>>
      %dma_start3A_120 = arith.constant 0 : i32
      %dma_start3A_121 = arith.constant 0 : i32
      %dma_start3A_122 = tpu.memref_slice %dma_start3A_119[%arg1, %dma_start3A_120, %dma_start3A_121] : memref<16x125x80xi32, #tpu.memory_space<hbm>> -> memref<1x125x80xi32, #tpu.memory_space<hbm>>
      %dma_start3A_123 = tpu.memref_squeeze %dma_start3A_122 : memref<1x125x80xi32, #tpu.memory_space<hbm>> -> memref<125x80xi32, #tpu.memory_space<hbm>>
      %dma_start3A_124 = arith.constant 0 : i32
      %dma_start3A_125 = arith.constant 0 : i32
      %dma_start3A_126 = arith.constant 0 : i32
      %dma_start3A_127 = tpu.memref_slice %arg2[%run_scoped3A_0, %dma_start3A_124, %dma_start3A_125, %dma_start3A_126] : memref<2x16x125x80xi32, #tpu.memory_space<hbm>> -> memref<1x16x125x80xi32, #tpu.memory_space<hbm>>
      %dma_start3A_128 = tpu.memref_squeeze %dma_start3A_127 : memref<1x16x125x80xi32, #tpu.memory_space<hbm>> -> memref<16x125x80xi32, #tpu.memory_space<hbm>>
      %dma_start3A_129 = arith.constant 0 : i32
      %dma_start3A_130 = arith.constant 0 : i32
      %dma_start3A_131 = tpu.memref_slice %dma_start3A_128[%arg1, %dma_start3A_129, %dma_start3A_130] : memref<16x125x80xi32, #tpu.memory_space<hbm>> -> memref<1x125x80xi32, #tpu.memory_space<hbm>>
      %dma_start3A_132 = tpu.memref_squeeze %dma_start3A_131 : memref<1x125x80xi32, #tpu.memory_space<hbm>> -> memref<125x80xi32, #tpu.memory_space<hbm>>
      tpu.enqueue_dma source(%dma_start3A_132 : memref<125x80xi32, #tpu.memory_space<hbm>>) target(%arg7 : memref<125x80xi32, #tpu.memory_space<vmem>>) target_semaphore(%run_scoped3A_114 : memref<!tpu.dma_semaphore, #tpu.memory_space<semaphore_mem>>)
      %dma_wait3A = arith.constant 0 : i32
      %dma_wait3A_133 = arith.constant 0 : i32
      %dma_wait3A_134 = arith.constant 0 : i32
      %dma_wait3A_135 = tpu.memref_slice %arg2[%run_scoped3A_0, %dma_wait3A, %dma_wait3A_133, %dma_wait3A_134] : memref<2x16x125x80xi32, #tpu.memory_space<hbm>> -> memref<1x16x125x80xi32, #tpu.memory_space<hbm>>
      %dma_wait3A_136 = tpu.memref_squeeze %dma_wait3A_135 : memref<1x16x125x80xi32, #tpu.memory_space<hbm>> -> memref<16x125x80xi32, #tpu.memory_space<hbm>>
      %dma_wait3A_137 = arith.constant 0 : i32
      %dma_wait3A_138 = arith.constant 0 : i32
      %dma_wait3A_139 = tpu.memref_slice %dma_wait3A_136[%arg1, %dma_wait3A_137, %dma_wait3A_138] : memref<16x125x80xi32, #tpu.memory_space<hbm>> -> memref<1x125x80xi32, #tpu.memory_space<hbm>>
      %dma_wait3A_140 = tpu.memref_squeeze %dma_wait3A_139 : memref<1x125x80xi32, #tpu.memory_space<hbm>> -> memref<125x80xi32, #tpu.memory_space<hbm>>
      %dma_wait3A_141 = arith.constant 0 : i32
      %dma_wait3A_142 = arith.constant 0 : i32
      %dma_wait3A_143 = arith.constant 0 : i32
      %dma_wait3A_144 = tpu.memref_slice %arg2[%run_scoped3A_0, %dma_wait3A_141, %dma_wait3A_142, %dma_wait3A_143] : memref<2x16x125x80xi32, #tpu.memory_space<hbm>> -> memref<1x16x125x80xi32, #tpu.memory_space<hbm>>
      %dma_wait3A_145 = tpu.memref_squeeze %dma_wait3A_144 : memref<1x16x125x80xi32, #tpu.memory_space<hbm>> -> memref<16x125x80xi32, #tpu.memory_space<hbm>>
      %dma_wait3A_146 = arith.constant 0 : i32
      %dma_wait3A_147 = arith.constant 0 : i32
      %dma_wait3A_148 = tpu.memref_slice %dma_wait3A_145[%arg1, %dma_wait3A_146, %dma_wait3A_147] : memref<16x125x80xi32, #tpu.memory_space<hbm>> -> memref<1x125x80xi32, #tpu.memory_space<hbm>>
      %dma_wait3A_149 = tpu.memref_squeeze %dma_wait3A_148 : memref<1x125x80xi32, #tpu.memory_space<hbm>> -> memref<125x80xi32, #tpu.memory_space<hbm>>
      tpu.wait_dma2 semaphore(%run_scoped3A_114 : memref<!tpu.dma_semaphore, #tpu.memory_space<semaphore_mem>>) src(%dma_wait3A_149 : memref<125x80xi32, #tpu.memory_space<hbm>>) dst(%arg7 : memref<125x80xi32, #tpu.memory_space<vmem>>)
      tpu.yield
    }) : () -> ()
    %mul3A = arith.constant 2 : i32
    %mul3A_1 = arith.muli %arg0, %mul3A : i32
    %add3A = arith.constant 0 : i32
    %add3A_2 = arith.addi %mul3A_1, %add3A : i32
    %mul3A_3 = arith.constant 2 : i32
    %mul3A_4 = arith.muli %arg0, %mul3A_3 : i32
    %broadcast_in_dim3A = vector.broadcast %mul3A_4 : i32 to vector<16xi32>
    %scan3A = arith.constant 0 : i32
    %scan3A_5 = arith.constant 125 : i32
    %scan3A_6 = arith.addi %scan3A, %scan3A_5 : i32
    %scan3A_7 = arith.constant 1 : i32
    scf.for %scan3A_114 = %scan3A to %scan3A_6 step %scan3A_7  : i32 {
      %mul3A_115 = arith.constant 1 : i32
      %mul3A_116 = arith.muli %scan3A_114, %mul3A_115 : i32
      %add3A_117 = arith.constant 0 : i32
      %add3A_118 = arith.addi %add3A_117, %mul3A_116 : i32
      %get3A = arith.index_cast %add3A_118 : i32 to index
      %get3A_119 = arith.constant 0 : index
      %get3A_120 = tpu.vector_load %arg7[%get3A, %get3A_119] {strides = array<i32>} : memref<125x80xi32, #tpu.memory_space<vmem>>, vector<1x16xi32>,
      %get3A_121 = vector.shape_cast %get3A_120 : vector<1x16xi32> to vector<16xi32>
      %shift_left3A = arith.constant 2 : i32
      %shift_left3A_122 = vector.broadcast %shift_left3A : i32 to vector<16xi32>
      %shift_left3A_123 = arith.shli %get3A_121, %shift_left3A_122 : vector<16xi32>
      %add3A_124 = arith.addi %shift_left3A_123, %broadcast_in_dim3A : vector<16xi32>
      %swap3A = arith.index_cast %add3A_118 : i32 to index
      %swap3A_125 = arith.constant 0 : index
      %swap3A_126 = tpu.vector_load %arg7[%swap3A, %swap3A_125] {strides = array<i32>} : memref<125x80xi32, #tpu.memory_space<vmem>>, vector<1x16xi32>,
      %swap3A_127 = vector.shape_cast %swap3A_126 : vector<1x16xi32> to vector<16xi32>
      %swap3A_128 = vector.shape_cast %add3A_124 : vector<16xi32> to vector<1x16xi32>
      tpu.vector_store %arg7[%swap3A, %swap3A_125], %swap3A_128 {strides = array<i32>} : memref<125x80xi32, #tpu.memory_space<vmem>>, vector<1x16xi32>,
      %get3A_129 = arith.index_cast %add3A_118 : i32 to index
      %get3A_130 = arith.constant 16 : index
      %get3A_131 = tpu.vector_load %arg7[%get3A_129, %get3A_130] {strides = array<i32>} : memref<125x80xi32, #tpu.memory_space<vmem>>, vector<1x16xi32>,
      %get3A_132 = vector.shape_cast %get3A_131 : vector<1x16xi32> to vector<16xi32>
      %shift_left3A_133 = arith.constant 2 : i32
      %shift_left3A_134 = vector.broadcast %shift_left3A_133 : i32 to vector<16xi32>
      %shift_left3A_135 = arith.shli %get3A_132, %shift_left3A_134 : vector<16xi32>
      %add3A_136 = arith.addi %shift_left3A_135, %broadcast_in_dim3A : vector<16xi32>
      %swap3A_137 = arith.index_cast %add3A_118 : i32 to index
      %swap3A_138 = arith.constant 16 : index
      %swap3A_139 = tpu.vector_load %arg7[%swap3A_137, %swap3A_138] {strides = array<i32>} : memref<125x80xi32, #tpu.memory_space<vmem>>, vector<1x16xi32>,
      %swap3A_140 = vector.shape_cast %swap3A_139 : vector<1x16xi32> to vector<16xi32>
      %swap3A_141 = vector.shape_cast %add3A_136 : vector<16xi32> to vector<1x16xi32>
      tpu.vector_store %arg7[%swap3A_137, %swap3A_138], %swap3A_141 {strides = array<i32>} : memref<125x80xi32, #tpu.memory_space<vmem>>, vector<1x16xi32>,
      %get3A_142 = arith.index_cast %add3A_118 : i32 to index
      %get3A_143 = arith.constant 32 : index
      %get3A_144 = tpu.vector_load %arg7[%get3A_142, %get3A_143] {strides = array<i32>} : memref<125x80xi32, #tpu.memory_space<vmem>>, vector<1x16xi32>,
      %get3A_145 = vector.shape_cast %get3A_144 : vector<1x16xi32> to vector<16xi32>
      %shift_left3A_146 = arith.constant 2 : i32
      %shift_left3A_147 = vector.broadcast %shift_left3A_146 : i32 to vector<16xi32>
      %shift_left3A_148 = arith.shli %get3A_145, %shift_left3A_147 : vector<16xi32>
      %add3A_149 = arith.addi %shift_left3A_148, %broadcast_in_dim3A : vector<16xi32>
      %swap3A_150 = arith.index_cast %add3A_118 : i32 to index
      %swap3A_151 = arith.constant 32 : index
      %swap3A_152 = tpu.vector_load %arg7[%swap3A_150, %swap3A_151] {strides = array<i32>} : memref<125x80xi32, #tpu.memory_space<vmem>>, vector<1x16xi32>,
      %swap3A_153 = vector.shape_cast %swap3A_152 : vector<1x16xi32> to vector<16xi32>
      %swap3A_154 = vector.shape_cast %add3A_149 : vector<16xi32> to vector<1x16xi32>
      tpu.vector_store %arg7[%swap3A_150, %swap3A_151], %swap3A_154 {strides = array<i32>} : memref<125x80xi32, #tpu.memory_space<vmem>>, vector<1x16xi32>,
      %get3A_155 = arith.index_cast %add3A_118 : i32 to index
      %get3A_156 = arith.constant 48 : index
      %get3A_157 = tpu.vector_load %arg7[%get3A_155, %get3A_156] {strides = array<i32>} : memref<125x80xi32, #tpu.memory_space<vmem>>, vector<1x16xi32>,
      %get3A_158 = vector.shape_cast %get3A_157 : vector<1x16xi32> to vector<16xi32>
      %shift_left3A_159 = arith.constant 2 : i32
      %shift_left3A_160 = vector.broadcast %shift_left3A_159 : i32 to vector<16xi32>
      %shift_left3A_161 = arith.shli %get3A_158, %shift_left3A_160 : vector<16xi32>
      %add3A_162 = arith.addi %shift_left3A_161, %broadcast_in_dim3A : vector<16xi32>
      %swap3A_163 = arith.index_cast %add3A_118 : i32 to index
      %swap3A_164 = arith.constant 48 : index
      %swap3A_165 = tpu.vector_load %arg7[%swap3A_163, %swap3A_164] {strides = array<i32>} : memref<125x80xi32, #tpu.memory_space<vmem>>, vector<1x16xi32>,
      %swap3A_166 = vector.shape_cast %swap3A_165 : vector<1x16xi32> to vector<16xi32>
      %swap3A_167 = vector.shape_cast %add3A_162 : vector<16xi32> to vector<1x16xi32>
      tpu.vector_store %arg7[%swap3A_163, %swap3A_164], %swap3A_167 {strides = array<i32>} : memref<125x80xi32, #tpu.memory_space<vmem>>, vector<1x16xi32>,
      %get3A_168 = arith.index_cast %add3A_118 : i32 to index
      %get3A_169 = arith.constant 64 : index
      %get3A_170 = tpu.vector_load %arg7[%get3A_168, %get3A_169] {strides = array<i32>} : memref<125x80xi32, #tpu.memory_space<vmem>>, vector<1x16xi32>,
      %get3A_171 = vector.shape_cast %get3A_170 : vector<1x16xi32> to vector<16xi32>
      %shift_left3A_172 = arith.constant 2 : i32
      %shift_left3A_173 = vector.broadcast %shift_left3A_172 : i32 to vector<16xi32>
      %shift_left3A_174 = arith.shli %get3A_171, %shift_left3A_173 : vector<16xi32>
      %add3A_175 = arith.addi %shift_left3A_174, %broadcast_in_dim3A : vector<16xi32>
      %swap3A_176 = arith.index_cast %add3A_118 : i32 to index
      %swap3A_177 = arith.constant 64 : index
      %swap3A_178 = tpu.vector_load %arg7[%swap3A_176, %swap3A_177] {strides = array<i32>} : memref<125x80xi32, #tpu.memory_space<vmem>>, vector<1x16xi32>,
      %swap3A_179 = vector.shape_cast %swap3A_178 : vector<1x16xi32> to vector<16xi32>
      %swap3A_180 = vector.shape_cast %add3A_175 : vector<16xi32> to vector<1x16xi32>
      tpu.vector_store %arg7[%swap3A_176, %swap3A_177], %swap3A_180 {strides = array<i32>} : memref<125x80xi32, #tpu.memory_space<vmem>>, vector<1x16xi32>,
    }
    %scan3A_8 = arith.constant 125 : i32
    %mul3A_9 = arith.constant 640 : i32
    %mul3A_10 = arith.muli %arg1, %mul3A_9 : i32
    %mul3A_11 = arith.constant 640 : i32
    %mul3A_12 = arith.muli %arg1, %mul3A_11 : i32
    "tpu.region"() ({
      %run_scoped3A_114 = tpu.sem_alloc : memref<!tpu.dma_semaphore, #tpu.memory_space<semaphore_mem>>
      %dma_start3A_115 = arith.constant 0 : i32
      %dma_start3A_116 = tpu.memref_slice %arg9[%mul3A_12, %dma_start3A_115] : memref<10240x64xf32, #tpu.memory_space<vmem_shared>> -> memref<640x64xf32, #tpu.memory_space<vmem_shared>>
      %dma_start3A_117 = arith.constant 0 : i32
      %dma_start3A_118 = tpu.memref_slice %arg4[%mul3A_10, %dma_start3A_117] : memref<10240x64xf32, #tpu.memory_space<hbm>> -> memref<640x64xf32, #tpu.memory_space<hbm>>
      tpu.enqueue_dma source(%dma_start3A_118 : memref<640x64xf32, #tpu.memory_space<hbm>>) target(%dma_start3A_116 : memref<640x64xf32, #tpu.memory_space<vmem_shared>>) target_semaphore(%run_scoped3A_114 : memref<!tpu.dma_semaphore, #tpu.memory_space<semaphore_mem>>)
      %dma_wait3A = arith.constant 0 : i32
      %dma_wait3A_119 = tpu.memref_slice %arg9[%mul3A_12, %dma_wait3A] : memref<10240x64xf32, #tpu.memory_space<vmem_shared>> -> memref<640x64xf32, #tpu.memory_space<vmem_shared>>
      %dma_wait3A_120 = arith.constant 0 : i32
      %dma_wait3A_121 = tpu.memref_slice %arg4[%mul3A_10, %dma_wait3A_120] : memref<10240x64xf32, #tpu.memory_space<hbm>> -> memref<640x64xf32, #tpu.memory_space<hbm>>
      tpu.wait_dma2 semaphore(%run_scoped3A_114 : memref<!tpu.dma_semaphore, #tpu.memory_space<semaphore_mem>>) src(%dma_wait3A_121 : memref<640x64xf32, #tpu.memory_space<hbm>>) dst(%dma_wait3A_119 : memref<640x64xf32, #tpu.memory_space<vmem_shared>>)
      tpu.yield
    }) : () -> ()
    %barrier3A = arith.constant 0 : index
    tpu.barrier barrier_id(%barrier3A)
    %dma_start3A = arith.constant 0 : i32
    %dma_start3A_13 = arith.constant 0 : i32
    %dma_start3A_14 = arith.constant 0 : i32
    %dma_start3A_15 = arith.constant 0 : i32
    %dma_start3A_16 = arith.constant 0 : i32
    %dma_start3A_17 = tpu.memref_slice %arg8[%dma_start3A_13, %dma_start3A_15, %dma_start3A_16] : memref<4x80x64xf32, #tpu.memory_space<vmem>> -> memref<1x80x64xf32, #tpu.memory_space<vmem>>
    %dma_start3A_18 = tpu.memref_squeeze %dma_start3A_17 : memref<1x80x64xf32, #tpu.memory_space<vmem>> -> memref<80x64xf32, #tpu.memory_space<vmem>>
    %dma_start3A_19 = arith.constant 0 : i32
    %dma_start3A_20 = tpu.memref_slice %arg7[%dma_start3A, %dma_start3A_19] : memref<125x80xi32, #tpu.memory_space<vmem>> -> memref<1x80xi32, #tpu.memory_space<vmem>>
    %dma_start3A_21 = tpu.memref_squeeze %dma_start3A_20 : memref<1x80xi32, #tpu.memory_space<vmem>> -> memref<80xi32, #tpu.memory_space<vmem>>
    %dma_start3A_22 = arith.constant 0 : i32
    %dma_start3A_23 = arith.constant 0 : i32
    %dma_start3A_24 = tpu.memref_slice %arg3[%dma_start3A_22, %dma_start3A_23] : memref<40000x64xf32, #tpu.memory_space<hbm>> -> memref<40000x64xf32, #tpu.memory_space<hbm>>
    %dma_start3A_25 = tpu.memref_slice %arg10[%dma_start3A_14] : memref<4x!tpu.dma_semaphore, #tpu.memory_space<semaphore_mem>> -> memref<1x!tpu.dma_semaphore, #tpu.memory_space<semaphore_mem>>
    %dma_start3A_26 = tpu.memref_squeeze %dma_start3A_25 : memref<1x!tpu.dma_semaphore, #tpu.memory_space<semaphore_mem>> -> memref<!tpu.dma_semaphore, #tpu.memory_space<semaphore_mem>>
    tpu.enqueue_indirect_dma source(%dma_start3A_24 : memref<40000x64xf32, #tpu.memory_space<hbm>>) target(%dma_start3A_18 : memref<80x64xf32, #tpu.memory_space<vmem>>) offsets(%dma_start3A_21 : memref<80xi32, #tpu.memory_space<vmem>>) semaphore(%dma_start3A_26 : memref<!tpu.dma_semaphore, #tpu.memory_space<semaphore_mem>>)
    %dma_start3A_27 = arith.constant 1 : i32
    %dma_start3A_28 = arith.constant 1 : i32
    %dma_start3A_29 = arith.constant 1 : i32
    %dma_start3A_30 = arith.constant 0 : i32
    %dma_start3A_31 = arith.constant 0 : i32
    %dma_start3A_32 = tpu.memref_slice %arg8[%dma_start3A_28, %dma_start3A_30, %dma_start3A_31] : memref<4x80x64xf32, #tpu.memory_space<vmem>> -> memref<1x80x64xf32, #tpu.memory_space<vmem>>
    %dma_start3A_33 = tpu.memref_squeeze %dma_start3A_32 : memref<1x80x64xf32, #tpu.memory_space<vmem>> -> memref<80x64xf32, #tpu.memory_space<vmem>>
    %dma_start3A_34 = arith.constant 0 : i32
    %dma_start3A_35 = tpu.memref_slice %arg7[%dma_start3A_27, %dma_start3A_34] : memref<125x80xi32, #tpu.memory_space<vmem>> -> memref<1x80xi32, #tpu.memory_space<vmem>>
    %dma_start3A_36 = tpu.memref_squeeze %dma_start3A_35 : memref<1x80xi32, #tpu.memory_space<vmem>> -> memref<80xi32, #tpu.memory_space<vmem>>
    %dma_start3A_37 = arith.constant 0 : i32
    %dma_start3A_38 = arith.constant 0 : i32
    %dma_start3A_39 = tpu.memref_slice %arg3[%dma_start3A_37, %dma_start3A_38] : memref<40000x64xf32, #tpu.memory_space<hbm>> -> memref<40000x64xf32, #tpu.memory_space<hbm>>
    %dma_start3A_40 = tpu.memref_slice %arg10[%dma_start3A_29] : memref<4x!tpu.dma_semaphore, #tpu.memory_space<semaphore_mem>> -> memref<1x!tpu.dma_semaphore, #tpu.memory_space<semaphore_mem>>
    %dma_start3A_41 = tpu.memref_squeeze %dma_start3A_40 : memref<1x!tpu.dma_semaphore, #tpu.memory_space<semaphore_mem>> -> memref<!tpu.dma_semaphore, #tpu.memory_space<semaphore_mem>>
    tpu.enqueue_indirect_dma source(%dma_start3A_39 : memref<40000x64xf32, #tpu.memory_space<hbm>>) target(%dma_start3A_33 : memref<80x64xf32, #tpu.memory_space<vmem>>) offsets(%dma_start3A_36 : memref<80xi32, #tpu.memory_space<vmem>>) semaphore(%dma_start3A_41 : memref<!tpu.dma_semaphore, #tpu.memory_space<semaphore_mem>>)
    %scan3A_42 = arith.constant 0 : i32
    %scan3A_43 = arith.constant 32 : i32
    %scan3A_44 = arith.addi %scan3A_42, %scan3A_43 : i32
    %scan3A_45 = arith.constant 1 : i32
    scf.for %scan3A_114 = %scan3A_42 to %scan3A_44 step %scan3A_45  : i32 {
      %mul3A_115 = arith.constant 4 : i32
      %mul3A_116 = arith.muli %scan3A_114, %mul3A_115 : i32
      %add3A_117 = arith.constant 0 : i32
      %add3A_118 = arith.addi %add3A_117, %mul3A_116 : i32
      %add3A_119 = arith.constant 0 : i32
      %add3A_120 = arith.addi %add3A_118, %add3A_119 : i32
      %add3A_121 = arith.constant 2 : i32
      %add3A_122 = arith.addi %add3A_120, %add3A_121 : i32
      %sub3A = arith.constant 4 : i32
      %sub3A_123 = arith.subi %add3A_122, %sub3A : i32
      %ge3A = arith.constant 0 : i32
      %ge3A_124 = arith.cmpi sge, %sub3A_123, %ge3A : i32
      %le3A = arith.constant 124 : i32
      %le3A_125 = arith.cmpi sle, %sub3A_123, %le3A : i32
      %and3A = arith.andi %ge3A_124, %le3A_125 : i1
      %convert_element_type3A = arith.extui %and3A : i1 to i32
      %cond3A = arith.constant 0 : i32
      %cond3A_126 = arith.cmpi ne, %convert_element_type3A, %cond3A : i32
      scf.if %cond3A_126 {
        %dma_wait3A = arith.constant 2 : i32
        %dma_wait3A_216 = arith.constant 2 : i32
        %dma_wait3A_217 = arith.constant 0 : i32
        %dma_wait3A_218 = arith.constant 0 : i32
        %dma_wait3A_219 = tpu.memref_slice %arg8[%dma_wait3A, %dma_wait3A_217, %dma_wait3A_218] : memref<4x80x64xf32, #tpu.memory_space<vmem>> -> memref<1x80x64xf32, #tpu.memory_space<vmem>>
        %dma_wait3A_220 = tpu.memref_squeeze %dma_wait3A_219 : memref<1x80x64xf32, #tpu.memory_space<vmem>> -> memref<80x64xf32, #tpu.memory_space<vmem>>
        %dma_wait3A_221 = arith.constant 0 : i32
        %dma_wait3A_222 = tpu.memref_slice %arg6[%sub3A_123, %dma_wait3A_221] : memref<125x80xi32, #tpu.memory_space<vmem>> -> memref<1x80xi32, #tpu.memory_space<vmem>>
        %dma_wait3A_223 = tpu.memref_squeeze %dma_wait3A_222 : memref<1x80xi32, #tpu.memory_space<vmem>> -> memref<80xi32, #tpu.memory_space<vmem>>
        %dma_wait3A_224 = arith.constant 0 : i32
        %dma_wait3A_225 = arith.constant 0 : i32
        %dma_wait3A_226 = tpu.memref_slice %arg9[%dma_wait3A_224, %dma_wait3A_225] : memref<10240x64xf32, #tpu.memory_space<vmem_shared>> -> memref<10240x64xf32, #tpu.memory_space<vmem_shared>>
        %dma_wait3A_227 = tpu.memref_slice %arg11[%dma_wait3A_216] : memref<4x!tpu.dma_semaphore, #tpu.memory_space<semaphore_mem>> -> memref<1x!tpu.dma_semaphore, #tpu.memory_space<semaphore_mem>>
        %dma_wait3A_228 = tpu.memref_squeeze %dma_wait3A_227 : memref<1x!tpu.dma_semaphore, #tpu.memory_space<semaphore_mem>> -> memref<!tpu.dma_semaphore, #tpu.memory_space<semaphore_mem>>
        tpu.wait_indirect_dma semaphore(%dma_wait3A_228 : memref<!tpu.dma_semaphore, #tpu.memory_space<semaphore_mem>>) src(%dma_wait3A_220 : memref<80x64xf32, #tpu.memory_space<vmem>>) dst(%dma_wait3A_226 : memref<10240x64xf32, #tpu.memory_space<vmem_shared>>)
      } else {
      }
      %add3A_127 = arith.constant 2 : i32
      %add3A_128 = arith.addi %add3A_120, %add3A_127 : i32
      %lt3A = arith.constant 125 : i32
      %lt3A_129 = arith.cmpi slt, %add3A_128, %lt3A : i32
      %convert_element_type3A_130 = arith.extui %lt3A_129 : i1 to i32
      %cond3A_131 = arith.constant 0 : i32
      %cond3A_132 = arith.cmpi ne, %convert_element_type3A_130, %cond3A_131 : i32
      scf.if %cond3A_132 {
        %add3A_216 = arith.constant 2 : i32
        %add3A_217 = arith.addi %add3A_120, %add3A_216 : i32
        %dma_start3A_218 = arith.constant 2 : i32
        %dma_start3A_219 = arith.constant 2 : i32
        %dma_start3A_220 = arith.constant 0 : i32
        %dma_start3A_221 = arith.constant 0 : i32
        %dma_start3A_222 = tpu.memref_slice %arg8[%dma_start3A_218, %dma_start3A_220, %dma_start3A_221] : memref<4x80x64xf32, #tpu.memory_space<vmem>> -> memref<1x80x64xf32, #tpu.memory_space<vmem>>
        %dma_start3A_223 = tpu.memref_squeeze %dma_start3A_222 : memref<1x80x64xf32, #tpu.memory_space<vmem>> -> memref<80x64xf32, #tpu.memory_space<vmem>>
        %dma_start3A_224 = arith.constant 0 : i32
        %dma_start3A_225 = tpu.memref_slice %arg7[%add3A_217, %dma_start3A_224] : memref<125x80xi32, #tpu.memory_space<vmem>> -> memref<1x80xi32, #tpu.memory_space<vmem>>
        %dma_start3A_226 = tpu.memref_squeeze %dma_start3A_225 : memref<1x80xi32, #tpu.memory_space<vmem>> -> memref<80xi32, #tpu.memory_space<vmem>>
        %dma_start3A_227 = arith.constant 0 : i32
        %dma_start3A_228 = arith.constant 0 : i32
        %dma_start3A_229 = tpu.memref_slice %arg3[%dma_start3A_227, %dma_start3A_228] : memref<40000x64xf32, #tpu.memory_space<hbm>> -> memref<40000x64xf32, #tpu.memory_space<hbm>>
        %dma_start3A_230 = tpu.memref_slice %arg10[%dma_start3A_219] : memref<4x!tpu.dma_semaphore, #tpu.memory_space<semaphore_mem>> -> memref<1x!tpu.dma_semaphore, #tpu.memory_space<semaphore_mem>>
        %dma_start3A_231 = tpu.memref_squeeze %dma_start3A_230 : memref<1x!tpu.dma_semaphore, #tpu.memory_space<semaphore_mem>> -> memref<!tpu.dma_semaphore, #tpu.memory_space<semaphore_mem>>
        tpu.enqueue_indirect_dma source(%dma_start3A_229 : memref<40000x64xf32, #tpu.memory_space<hbm>>) target(%dma_start3A_223 : memref<80x64xf32, #tpu.memory_space<vmem>>) offsets(%dma_start3A_226 : memref<80xi32, #tpu.memory_space<vmem>>) semaphore(%dma_start3A_231 : memref<!tpu.dma_semaphore, #tpu.memory_space<semaphore_mem>>)
      } else {
      }
      %lt3A_133 = arith.constant 125 : i32
      %lt3A_134 = arith.cmpi slt, %add3A_120, %lt3A_133 : i32
      %convert_element_type3A_135 = arith.extui %lt3A_134 : i1 to i32
      %cond3A_136 = arith.constant 0 : i32
      %cond3A_137 = arith.cmpi ne, %convert_element_type3A_135, %cond3A_136 : i32
      scf.if %cond3A_137 {
        %dma_wait3A = arith.constant 0 : i32
        %dma_wait3A_216 = arith.constant 0 : i32
        %dma_wait3A_217 = arith.constant 0 : i32
        %dma_wait3A_218 = arith.constant 0 : i32
        %dma_wait3A_219 = tpu.memref_slice %arg8[%dma_wait3A, %dma_wait3A_217, %dma_wait3A_218] : memref<4x80x64xf32, #tpu.memory_space<vmem>> -> memref<1x80x64xf32, #tpu.memory_space<vmem>>
        %dma_wait3A_220 = tpu.memref_squeeze %dma_wait3A_219 : memref<1x80x64xf32, #tpu.memory_space<vmem>> -> memref<80x64xf32, #tpu.memory_space<vmem>>
        %dma_wait3A_221 = arith.constant 0 : i32
        %dma_wait3A_222 = tpu.memref_slice %arg7[%add3A_120, %dma_wait3A_221] : memref<125x80xi32, #tpu.memory_space<vmem>> -> memref<1x80xi32, #tpu.memory_space<vmem>>
        %dma_wait3A_223 = tpu.memref_squeeze %dma_wait3A_222 : memref<1x80xi32, #tpu.memory_space<vmem>> -> memref<80xi32, #tpu.memory_space<vmem>>
        %dma_wait3A_224 = arith.constant 0 : i32
        %dma_wait3A_225 = arith.constant 0 : i32
        %dma_wait3A_226 = tpu.memref_slice %arg3[%dma_wait3A_224, %dma_wait3A_225] : memref<40000x64xf32, #tpu.memory_space<hbm>> -> memref<40000x64xf32, #tpu.memory_space<hbm>>
        %dma_wait3A_227 = tpu.memref_slice %arg10[%dma_wait3A_216] : memref<4x!tpu.dma_semaphore, #tpu.memory_space<semaphore_mem>> -> memref<1x!tpu.dma_semaphore, #tpu.memory_space<semaphore_mem>>
        %dma_wait3A_228 = tpu.memref_squeeze %dma_wait3A_227 : memref<1x!tpu.dma_semaphore, #tpu.memory_space<semaphore_mem>> -> memref<!tpu.dma_semaphore, #tpu.memory_space<semaphore_mem>>
        tpu.wait_indirect_dma semaphore(%dma_wait3A_228 : memref<!tpu.dma_semaphore, #tpu.memory_space<semaphore_mem>>) src(%dma_wait3A_226 : memref<40000x64xf32, #tpu.memory_space<hbm>>) dst(%dma_wait3A_220 : memref<80x64xf32, #tpu.memory_space<vmem>>)
        %dma_start3A_229 = arith.constant 0 : i32
        %dma_start3A_230 = arith.constant 0 : i32
        %dma_start3A_231 = arith.constant 0 : i32
        %dma_start3A_232 = arith.constant 0 : i32
        %dma_start3A_233 = tpu.memref_slice %arg8[%dma_start3A_229, %dma_start3A_231, %dma_start3A_232] : memref<4x80x64xf32, #tpu.memory_space<vmem>> -> memref<1x80x64xf32, #tpu.memory_space<vmem>>
        %dma_start3A_234 = tpu.memref_squeeze %dma_start3A_233 : memref<1x80x64xf32, #tpu.memory_space<vmem>> -> memref<80x64xf32, #tpu.memory_space<vmem>>
        %dma_start3A_235 = arith.constant 0 : i32
        %dma_start3A_236 = tpu.memref_slice %arg6[%add3A_120, %dma_start3A_235] : memref<125x80xi32, #tpu.memory_space<vmem>> -> memref<1x80xi32, #tpu.memory_space<vmem>>
        %dma_start3A_237 = tpu.memref_squeeze %dma_start3A_236 : memref<1x80xi32, #tpu.memory_space<vmem>> -> memref<80xi32, #tpu.memory_space<vmem>>
        %dma_start3A_238 = arith.constant 0 : i32
        %dma_start3A_239 = arith.constant 0 : i32
        %dma_start3A_240 = tpu.memref_slice %arg9[%dma_start3A_238, %dma_start3A_239] : memref<10240x64xf32, #tpu.memory_space<vmem_shared>> -> memref<10240x64xf32, #tpu.memory_space<vmem_shared>>
        %dma_start3A_241 = tpu.memref_slice %arg11[%dma_start3A_230] : memref<4x!tpu.dma_semaphore, #tpu.memory_space<semaphore_mem>> -> memref<1x!tpu.dma_semaphore, #tpu.memory_space<semaphore_mem>>
        %dma_start3A_242 = tpu.memref_squeeze %dma_start3A_241 : memref<1x!tpu.dma_semaphore, #tpu.memory_space<semaphore_mem>> -> memref<!tpu.dma_semaphore, #tpu.memory_space<semaphore_mem>>
        tpu.enqueue_indirect_dma source(%dma_start3A_234 : memref<80x64xf32, #tpu.memory_space<vmem>>) target(%dma_start3A_240 : memref<10240x64xf32, #tpu.memory_space<vmem_shared>>) offsets(%dma_start3A_237 : memref<80xi32, #tpu.memory_space<vmem>>) semaphore(%dma_start3A_242 : memref<!tpu.dma_semaphore, #tpu.memory_space<semaphore_mem>>) {add = true}
      } else {
      }
      %add3A_138 = arith.constant 1 : i32
      %add3A_139 = arith.addi %add3A_118, %add3A_138 : i32
      %add3A_140 = arith.constant 2 : i32
      %add3A_141 = arith.addi %add3A_139, %add3A_140 : i32
      %sub3A_142 = arith.constant 4 : i32
      %sub3A_143 = arith.subi %add3A_141, %sub3A_142 : i32
      %ge3A_144 = arith.constant 0 : i32
      %ge3A_145 = arith.cmpi sge, %sub3A_143, %ge3A_144 : i32
      %le3A_146 = arith.constant 124 : i32
      %le3A_147 = arith.cmpi sle, %sub3A_143, %le3A_146 : i32
      %and3A_148 = arith.andi %ge3A_145, %le3A_147 : i1
      %convert_element_type3A_149 = arith.extui %and3A_148 : i1 to i32
      %cond3A_150 = arith.constant 0 : i32
      %cond3A_151 = arith.cmpi ne, %convert_element_type3A_149, %cond3A_150 : i32
      scf.if %cond3A_151 {
        %dma_wait3A = arith.constant 3 : i32
        %dma_wait3A_216 = arith.constant 3 : i32
        %dma_wait3A_217 = arith.constant 0 : i32
        %dma_wait3A_218 = arith.constant 0 : i32
        %dma_wait3A_219 = tpu.memref_slice %arg8[%dma_wait3A, %dma_wait3A_217, %dma_wait3A_218] : memref<4x80x64xf32, #tpu.memory_space<vmem>> -> memref<1x80x64xf32, #tpu.memory_space<vmem>>
        %dma_wait3A_220 = tpu.memref_squeeze %dma_wait3A_219 : memref<1x80x64xf32, #tpu.memory_space<vmem>> -> memref<80x64xf32, #tpu.memory_space<vmem>>
        %dma_wait3A_221 = arith.constant 0 : i32
        %dma_wait3A_222 = tpu.memref_slice %arg6[%sub3A_143, %dma_wait3A_221] : memref<125x80xi32, #tpu.memory_space<vmem>> -> memref<1x80xi32, #tpu.memory_space<vmem>>
        %dma_wait3A_223 = tpu.memref_squeeze %dma_wait3A_222 : memref<1x80xi32, #tpu.memory_space<vmem>> -> memref<80xi32, #tpu.memory_space<vmem>>
        %dma_wait3A_224 = arith.constant 0 : i32
        %dma_wait3A_225 = arith.constant 0 : i32
        %dma_wait3A_226 = tpu.memref_slice %arg9[%dma_wait3A_224, %dma_wait3A_225] : memref<10240x64xf32, #tpu.memory_space<vmem_shared>> -> memref<10240x64xf32, #tpu.memory_space<vmem_shared>>
        %dma_wait3A_227 = tpu.memref_slice %arg11[%dma_wait3A_216] : memref<4x!tpu.dma_semaphore, #tpu.memory_space<semaphore_mem>> -> memref<1x!tpu.dma_semaphore, #tpu.memory_space<semaphore_mem>>
        %dma_wait3A_228 = tpu.memref_squeeze %dma_wait3A_227 : memref<1x!tpu.dma_semaphore, #tpu.memory_space<semaphore_mem>> -> memref<!tpu.dma_semaphore, #tpu.memory_space<semaphore_mem>>
        tpu.wait_indirect_dma semaphore(%dma_wait3A_228 : memref<!tpu.dma_semaphore, #tpu.memory_space<semaphore_mem>>) src(%dma_wait3A_220 : memref<80x64xf32, #tpu.memory_space<vmem>>) dst(%dma_wait3A_226 : memref<10240x64xf32, #tpu.memory_space<vmem_shared>>)
      } else {
      }
      %add3A_152 = arith.constant 2 : i32
      %add3A_153 = arith.addi %add3A_139, %add3A_152 : i32
      %lt3A_154 = arith.constant 125 : i32
      %lt3A_155 = arith.cmpi slt, %add3A_153, %lt3A_154 : i32
      %convert_element_type3A_156 = arith.extui %lt3A_155 : i1 to i32
      %cond3A_157 = arith.constant 0 : i32
      %cond3A_158 = arith.cmpi ne, %convert_element_type3A_156, %cond3A_157 : i32
      scf.if %cond3A_158 {
        %add3A_216 = arith.constant 2 : i32
        %add3A_217 = arith.addi %add3A_139, %add3A_216 : i32
        %dma_start3A_218 = arith.constant 3 : i32
        %dma_start3A_219 = arith.constant 3 : i32
        %dma_start3A_220 = arith.constant 0 : i32
        %dma_start3A_221 = arith.constant 0 : i32
        %dma_start3A_222 = tpu.memref_slice %arg8[%dma_start3A_218, %dma_start3A_220, %dma_start3A_221] : memref<4x80x64xf32, #tpu.memory_space<vmem>> -> memref<1x80x64xf32, #tpu.memory_space<vmem>>
        %dma_start3A_223 = tpu.memref_squeeze %dma_start3A_222 : memref<1x80x64xf32, #tpu.memory_space<vmem>> -> memref<80x64xf32, #tpu.memory_space<vmem>>
        %dma_start3A_224 = arith.constant 0 : i32
        %dma_start3A_225 = tpu.memref_slice %arg7[%add3A_217, %dma_start3A_224] : memref<125x80xi32, #tpu.memory_space<vmem>> -> memref<1x80xi32, #tpu.memory_space<vmem>>
        %dma_start3A_226 = tpu.memref_squeeze %dma_start3A_225 : memref<1x80xi32, #tpu.memory_space<vmem>> -> memref<80xi32, #tpu.memory_space<vmem>>
        %dma_start3A_227 = arith.constant 0 : i32
        %dma_start3A_228 = arith.constant 0 : i32
        %dma_start3A_229 = tpu.memref_slice %arg3[%dma_start3A_227, %dma_start3A_228] : memref<40000x64xf32, #tpu.memory_space<hbm>> -> memref<40000x64xf32, #tpu.memory_space<hbm>>
        %dma_start3A_230 = tpu.memref_slice %arg10[%dma_start3A_219] : memref<4x!tpu.dma_semaphore, #tpu.memory_space<semaphore_mem>> -> memref<1x!tpu.dma_semaphore, #tpu.memory_space<semaphore_mem>>
        %dma_start3A_231 = tpu.memref_squeeze %dma_start3A_230 : memref<1x!tpu.dma_semaphore, #tpu.memory_space<semaphore_mem>> -> memref<!tpu.dma_semaphore, #tpu.memory_space<semaphore_mem>>
        tpu.enqueue_indirect_dma source(%dma_start3A_229 : memref<40000x64xf32, #tpu.memory_space<hbm>>) target(%dma_start3A_223 : memref<80x64xf32, #tpu.memory_space<vmem>>) offsets(%dma_start3A_226 : memref<80xi32, #tpu.memory_space<vmem>>) semaphore(%dma_start3A_231 : memref<!tpu.dma_semaphore, #tpu.memory_space<semaphore_mem>>)
      } else {
      }
      %lt3A_159 = arith.constant 125 : i32
      %lt3A_160 = arith.cmpi slt, %add3A_139, %lt3A_159 : i32
      %convert_element_type3A_161 = arith.extui %lt3A_160 : i1 to i32
      %cond3A_162 = arith.constant 0 : i32
      %cond3A_163 = arith.cmpi ne, %convert_element_type3A_161, %cond3A_162 : i32
      scf.if %cond3A_163 {
        %dma_wait3A = arith.constant 1 : i32
        %dma_wait3A_216 = arith.constant 1 : i32
        %dma_wait3A_217 = arith.constant 0 : i32
        %dma_wait3A_218 = arith.constant 0 : i32
        %dma_wait3A_219 = tpu.memref_slice %arg8[%dma_wait3A, %dma_wait3A_217, %dma_wait3A_218] : memref<4x80x64xf32, #tpu.memory_space<vmem>> -> memref<1x80x64xf32, #tpu.memory_space<vmem>>
        %dma_wait3A_220 = tpu.memref_squeeze %dma_wait3A_219 : memref<1x80x64xf32, #tpu.memory_space<vmem>> -> memref<80x64xf32, #tpu.memory_space<vmem>>
        %dma_wait3A_221 = arith.constant 0 : i32
        %dma_wait3A_222 = tpu.memref_slice %arg7[%add3A_139, %dma_wait3A_221] : memref<125x80xi32, #tpu.memory_space<vmem>> -> memref<1x80xi32, #tpu.memory_space<vmem>>
        %dma_wait3A_223 = tpu.memref_squeeze %dma_wait3A_222 : memref<1x80xi32, #tpu.memory_space<vmem>> -> memref<80xi32, #tpu.memory_space<vmem>>
        %dma_wait3A_224 = arith.constant 0 : i32
        %dma_wait3A_225 = arith.constant 0 : i32
        %dma_wait3A_226 = tpu.memref_slice %arg3[%dma_wait3A_224, %dma_wait3A_225] : memref<40000x64xf32, #tpu.memory_space<hbm>> -> memref<40000x64xf32, #tpu.memory_space<hbm>>
        %dma_wait3A_227 = tpu.memref_slice %arg10[%dma_wait3A_216] : memref<4x!tpu.dma_semaphore, #tpu.memory_space<semaphore_mem>> -> memref<1x!tpu.dma_semaphore, #tpu.memory_space<semaphore_mem>>
        %dma_wait3A_228 = tpu.memref_squeeze %dma_wait3A_227 : memref<1x!tpu.dma_semaphore, #tpu.memory_space<semaphore_mem>> -> memref<!tpu.dma_semaphore, #tpu.memory_space<semaphore_mem>>
        tpu.wait_indirect_dma semaphore(%dma_wait3A_228 : memref<!tpu.dma_semaphore, #tpu.memory_space<semaphore_mem>>) src(%dma_wait3A_226 : memref<40000x64xf32, #tpu.memory_space<hbm>>) dst(%dma_wait3A_220 : memref<80x64xf32, #tpu.memory_space<vmem>>)
        %dma_start3A_229 = arith.constant 1 : i32
        %dma_start3A_230 = arith.constant 1 : i32
        %dma_start3A_231 = arith.constant 0 : i32
        %dma_start3A_232 = arith.constant 0 : i32
        %dma_start3A_233 = tpu.memref_slice %arg8[%dma_start3A_229, %dma_start3A_231, %dma_start3A_232] : memref<4x80x64xf32, #tpu.memory_space<vmem>> -> memref<1x80x64xf32, #tpu.memory_space<vmem>>
        %dma_start3A_234 = tpu.memref_squeeze %dma_start3A_233 : memref<1x80x64xf32, #tpu.memory_space<vmem>> -> memref<80x64xf32, #tpu.memory_space<vmem>>
        %dma_start3A_235 = arith.constant 0 : i32
        %dma_start3A_236 = tpu.memref_slice %arg6[%add3A_139, %dma_start3A_235] : memref<125x80xi32, #tpu.memory_space<vmem>> -> memref<1x80xi32, #tpu.memory_space<vmem>>
        %dma_start3A_237 = tpu.memref_squeeze %dma_start3A_236 : memref<1x80xi32, #tpu.memory_space<vmem>> -> memref<80xi32, #tpu.memory_space<vmem>>
        %dma_start3A_238 = arith.constant 0 : i32
        %dma_start3A_239 = arith.constant 0 : i32
        %dma_start3A_240 = tpu.memref_slice %arg9[%dma_start3A_238, %dma_start3A_239] : memref<10240x64xf32, #tpu.memory_space<vmem_shared>> -> memref<10240x64xf32, #tpu.memory_space<vmem_shared>>
        %dma_start3A_241 = tpu.memref_slice %arg11[%dma_start3A_230] : memref<4x!tpu.dma_semaphore, #tpu.memory_space<semaphore_mem>> -> memref<1x!tpu.dma_semaphore, #tpu.memory_space<semaphore_mem>>
        %dma_start3A_242 = tpu.memref_squeeze %dma_start3A_241 : memref<1x!tpu.dma_semaphore, #tpu.memory_space<semaphore_mem>> -> memref<!tpu.dma_semaphore, #tpu.memory_space<semaphore_mem>>
        tpu.enqueue_indirect_dma source(%dma_start3A_234 : memref<80x64xf32, #tpu.memory_space<vmem>>) target(%dma_start3A_240 : memref<10240x64xf32, #tpu.memory_space<vmem_shared>>) offsets(%dma_start3A_237 : memref<80xi32, #tpu.memory_space<vmem>>) semaphore(%dma_start3A_242 : memref<!tpu.dma_semaphore, #tpu.memory_space<semaphore_mem>>) {add = true}
      } else {
      }
      %add3A_164 = arith.constant 2 : i32
      %add3A_165 = arith.addi %add3A_118, %add3A_164 : i32
      %add3A_166 = arith.constant 2 : i32
      %add3A_167 = arith.addi %add3A_165, %add3A_166 : i32
      %sub3A_168 = arith.constant 4 : i32
      %sub3A_169 = arith.subi %add3A_167, %sub3A_168 : i32
      %ge3A_170 = arith.constant 0 : i32
      %ge3A_171 = arith.cmpi sge, %sub3A_169, %ge3A_170 : i32
      %le3A_172 = arith.constant 124 : i32
      %le3A_173 = arith.cmpi sle, %sub3A_169, %le3A_172 : i32
      %and3A_174 = arith.andi %ge3A_171, %le3A_173 : i1
      %convert_element_type3A_175 = arith.extui %and3A_174 : i1 to i32
      %cond3A_176 = arith.constant 0 : i32
      %cond3A_177 = arith.cmpi ne, %convert_element_type3A_175, %cond3A_176 : i32
      scf.if %cond3A_177 {
        %dma_wait3A = arith.constant 0 : i32
        %dma_wait3A_216 = arith.constant 0 : i32
        %dma_wait3A_217 = arith.constant 0 : i32
        %dma_wait3A_218 = arith.constant 0 : i32
        %dma_wait3A_219 = tpu.memref_slice %arg8[%dma_wait3A, %dma_wait3A_217, %dma_wait3A_218] : memref<4x80x64xf32, #tpu.memory_space<vmem>> -> memref<1x80x64xf32, #tpu.memory_space<vmem>>
        %dma_wait3A_220 = tpu.memref_squeeze %dma_wait3A_219 : memref<1x80x64xf32, #tpu.memory_space<vmem>> -> memref<80x64xf32, #tpu.memory_space<vmem>>
        %dma_wait3A_221 = arith.constant 0 : i32
        %dma_wait3A_222 = tpu.memref_slice %arg6[%sub3A_169, %dma_wait3A_221] : memref<125x80xi32, #tpu.memory_space<vmem>> -> memref<1x80xi32, #tpu.memory_space<vmem>>
        %dma_wait3A_223 = tpu.memref_squeeze %dma_wait3A_222 : memref<1x80xi32, #tpu.memory_space<vmem>> -> memref<80xi32, #tpu.memory_space<vmem>>
        %dma_wait3A_224 = arith.constant 0 : i32
        %dma_wait3A_225 = arith.constant 0 : i32
        %dma_wait3A_226 = tpu.memref_slice %arg9[%dma_wait3A_224, %dma_wait3A_225] : memref<10240x64xf32, #tpu.memory_space<vmem_shared>> -> memref<10240x64xf32, #tpu.memory_space<vmem_shared>>
        %dma_wait3A_227 = tpu.memref_slice %arg11[%dma_wait3A_216] : memref<4x!tpu.dma_semaphore, #tpu.memory_space<semaphore_mem>> -> memref<1x!tpu.dma_semaphore, #tpu.memory_space<semaphore_mem>>
        %dma_wait3A_228 = tpu.memref_squeeze %dma_wait3A_227 : memref<1x!tpu.dma_semaphore, #tpu.memory_space<semaphore_mem>> -> memref<!tpu.dma_semaphore, #tpu.memory_space<semaphore_mem>>
        tpu.wait_indirect_dma semaphore(%dma_wait3A_228 : memref<!tpu.dma_semaphore, #tpu.memory_space<semaphore_mem>>) src(%dma_wait3A_220 : memref<80x64xf32, #tpu.memory_space<vmem>>) dst(%dma_wait3A_226 : memref<10240x64xf32, #tpu.memory_space<vmem_shared>>)
      } else {
      }
      %add3A_178 = arith.constant 2 : i32
      %add3A_179 = arith.addi %add3A_165, %add3A_178 : i32
      %lt3A_180 = arith.constant 125 : i32
      %lt3A_181 = arith.cmpi slt, %add3A_179, %lt3A_180 : i32
      %convert_element_type3A_182 = arith.extui %lt3A_181 : i1 to i32
      %cond3A_183 = arith.constant 0 : i32
      %cond3A_184 = arith.cmpi ne, %convert_element_type3A_182, %cond3A_183 : i32
      scf.if %cond3A_184 {
        %add3A_216 = arith.constant 2 : i32
        %add3A_217 = arith.addi %add3A_165, %add3A_216 : i32
        %dma_start3A_218 = arith.constant 0 : i32
        %dma_start3A_219 = arith.constant 0 : i32
        %dma_start3A_220 = arith.constant 0 : i32
        %dma_start3A_221 = arith.constant 0 : i32
        %dma_start3A_222 = tpu.memref_slice %arg8[%dma_start3A_218, %dma_start3A_220, %dma_start3A_221] : memref<4x80x64xf32, #tpu.memory_space<vmem>> -> memref<1x80x64xf32, #tpu.memory_space<vmem>>
        %dma_start3A_223 = tpu.memref_squeeze %dma_start3A_222 : memref<1x80x64xf32, #tpu.memory_space<vmem>> -> memref<80x64xf32, #tpu.memory_space<vmem>>
        %dma_start3A_224 = arith.constant 0 : i32
        %dma_start3A_225 = tpu.memref_slice %arg7[%add3A_217, %dma_start3A_224] : memref<125x80xi32, #tpu.memory_space<vmem>> -> memref<1x80xi32, #tpu.memory_space<vmem>>
        %dma_start3A_226 = tpu.memref_squeeze %dma_start3A_225 : memref<1x80xi32, #tpu.memory_space<vmem>> -> memref<80xi32, #tpu.memory_space<vmem>>
        %dma_start3A_227 = arith.constant 0 : i32
        %dma_start3A_228 = arith.constant 0 : i32
        %dma_start3A_229 = tpu.memref_slice %arg3[%dma_start3A_227, %dma_start3A_228] : memref<40000x64xf32, #tpu.memory_space<hbm>> -> memref<40000x64xf32, #tpu.memory_space<hbm>>
        %dma_start3A_230 = tpu.memref_slice %arg10[%dma_start3A_219] : memref<4x!tpu.dma_semaphore, #tpu.memory_space<semaphore_mem>> -> memref<1x!tpu.dma_semaphore, #tpu.memory_space<semaphore_mem>>
        %dma_start3A_231 = tpu.memref_squeeze %dma_start3A_230 : memref<1x!tpu.dma_semaphore, #tpu.memory_space<semaphore_mem>> -> memref<!tpu.dma_semaphore, #tpu.memory_space<semaphore_mem>>
        tpu.enqueue_indirect_dma source(%dma_start3A_229 : memref<40000x64xf32, #tpu.memory_space<hbm>>) target(%dma_start3A_223 : memref<80x64xf32, #tpu.memory_space<vmem>>) offsets(%dma_start3A_226 : memref<80xi32, #tpu.memory_space<vmem>>) semaphore(%dma_start3A_231 : memref<!tpu.dma_semaphore, #tpu.memory_space<semaphore_mem>>)
      } else {
      }
      %lt3A_185 = arith.constant 125 : i32
      %lt3A_186 = arith.cmpi slt, %add3A_165, %lt3A_185 : i32
      %convert_element_type3A_187 = arith.extui %lt3A_186 : i1 to i32
      %cond3A_188 = arith.constant 0 : i32
      %cond3A_189 = arith.cmpi ne, %convert_element_type3A_187, %cond3A_188 : i32
      scf.if %cond3A_189 {
        %dma_wait3A = arith.constant 2 : i32
        %dma_wait3A_216 = arith.constant 2 : i32
        %dma_wait3A_217 = arith.constant 0 : i32
        %dma_wait3A_218 = arith.constant 0 : i32
        %dma_wait3A_219 = tpu.memref_slice %arg8[%dma_wait3A, %dma_wait3A_217, %dma_wait3A_218] : memref<4x80x64xf32, #tpu.memory_space<vmem>> -> memref<1x80x64xf32, #tpu.memory_space<vmem>>
        %dma_wait3A_220 = tpu.memref_squeeze %dma_wait3A_219 : memref<1x80x64xf32, #tpu.memory_space<vmem>> -> memref<80x64xf32, #tpu.memory_space<vmem>>
        %dma_wait3A_221 = arith.constant 0 : i32
        %dma_wait3A_222 = tpu.memref_slice %arg7[%add3A_165, %dma_wait3A_221] : memref<125x80xi32, #tpu.memory_space<vmem>> -> memref<1x80xi32, #tpu.memory_space<vmem>>
        %dma_wait3A_223 = tpu.memref_squeeze %dma_wait3A_222 : memref<1x80xi32, #tpu.memory_space<vmem>> -> memref<80xi32, #tpu.memory_space<vmem>>
        %dma_wait3A_224 = arith.constant 0 : i32
        %dma_wait3A_225 = arith.constant 0 : i32
        %dma_wait3A_226 = tpu.memref_slice %arg3[%dma_wait3A_224, %dma_wait3A_225] : memref<40000x64xf32, #tpu.memory_space<hbm>> -> memref<40000x64xf32, #tpu.memory_space<hbm>>
        %dma_wait3A_227 = tpu.memref_slice %arg10[%dma_wait3A_216] : memref<4x!tpu.dma_semaphore, #tpu.memory_space<semaphore_mem>> -> memref<1x!tpu.dma_semaphore, #tpu.memory_space<semaphore_mem>>
        %dma_wait3A_228 = tpu.memref_squeeze %dma_wait3A_227 : memref<1x!tpu.dma_semaphore, #tpu.memory_space<semaphore_mem>> -> memref<!tpu.dma_semaphore, #tpu.memory_space<semaphore_mem>>
        tpu.wait_indirect_dma semaphore(%dma_wait3A_228 : memref<!tpu.dma_semaphore, #tpu.memory_space<semaphore_mem>>) src(%dma_wait3A_226 : memref<40000x64xf32, #tpu.memory_space<hbm>>) dst(%dma_wait3A_220 : memref<80x64xf32, #tpu.memory_space<vmem>>)
        %dma_start3A_229 = arith.constant 2 : i32
        %dma_start3A_230 = arith.constant 2 : i32
        %dma_start3A_231 = arith.constant 0 : i32
        %dma_start3A_232 = arith.constant 0 : i32
        %dma_start3A_233 = tpu.memref_slice %arg8[%dma_start3A_229, %dma_start3A_231, %dma_start3A_232] : memref<4x80x64xf32, #tpu.memory_space<vmem>> -> memref<1x80x64xf32, #tpu.memory_space<vmem>>
        %dma_start3A_234 = tpu.memref_squeeze %dma_start3A_233 : memref<1x80x64xf32, #tpu.memory_space<vmem>> -> memref<80x64xf32, #tpu.memory_space<vmem>>
        %dma_start3A_235 = arith.constant 0 : i32
        %dma_start3A_236 = tpu.memref_slice %arg6[%add3A_165, %dma_start3A_235] : memref<125x80xi32, #tpu.memory_space<vmem>> -> memref<1x80xi32, #tpu.memory_space<vmem>>
        %dma_start3A_237 = tpu.memref_squeeze %dma_start3A_236 : memref<1x80xi32, #tpu.memory_space<vmem>> -> memref<80xi32, #tpu.memory_space<vmem>>
        %dma_start3A_238 = arith.constant 0 : i32
        %dma_start3A_239 = arith.constant 0 : i32
        %dma_start3A_240 = tpu.memref_slice %arg9[%dma_start3A_238, %dma_start3A_239] : memref<10240x64xf32, #tpu.memory_space<vmem_shared>> -> memref<10240x64xf32, #tpu.memory_space<vmem_shared>>
        %dma_start3A_241 = tpu.memref_slice %arg11[%dma_start3A_230] : memref<4x!tpu.dma_semaphore, #tpu.memory_space<semaphore_mem>> -> memref<1x!tpu.dma_semaphore, #tpu.memory_space<semaphore_mem>>
        %dma_start3A_242 = tpu.memref_squeeze %dma_start3A_241 : memref<1x!tpu.dma_semaphore, #tpu.memory_space<semaphore_mem>> -> memref<!tpu.dma_semaphore, #tpu.memory_space<semaphore_mem>>
        tpu.enqueue_indirect_dma source(%dma_start3A_234 : memref<80x64xf32, #tpu.memory_space<vmem>>) target(%dma_start3A_240 : memref<10240x64xf32, #tpu.memory_space<vmem_shared>>) offsets(%dma_start3A_237 : memref<80xi32, #tpu.memory_space<vmem>>) semaphore(%dma_start3A_242 : memref<!tpu.dma_semaphore, #tpu.memory_space<semaphore_mem>>) {add = true}
      } else {
      }
      %add3A_190 = arith.constant 3 : i32
      %add3A_191 = arith.addi %add3A_118, %add3A_190 : i32
      %add3A_192 = arith.constant 2 : i32
      %add3A_193 = arith.addi %add3A_191, %add3A_192 : i32
      %sub3A_194 = arith.constant 4 : i32
      %sub3A_195 = arith.subi %add3A_193, %sub3A_194 : i32
      %ge3A_196 = arith.constant 0 : i32
      %ge3A_197 = arith.cmpi sge, %sub3A_195, %ge3A_196 : i32
      %le3A_198 = arith.constant 124 : i32
      %le3A_199 = arith.cmpi sle, %sub3A_195, %le3A_198 : i32
      %and3A_200 = arith.andi %ge3A_197, %le3A_199 : i1
      %convert_element_type3A_201 = arith.extui %and3A_200 : i1 to i32
      %cond3A_202 = arith.constant 0 : i32
      %cond3A_203 = arith.cmpi ne, %convert_element_type3A_201, %cond3A_202 : i32
      scf.if %cond3A_203 {
        %dma_wait3A = arith.constant 1 : i32
        %dma_wait3A_216 = arith.constant 1 : i32
        %dma_wait3A_217 = arith.constant 0 : i32
        %dma_wait3A_218 = arith.constant 0 : i32
        %dma_wait3A_219 = tpu.memref_slice %arg8[%dma_wait3A, %dma_wait3A_217, %dma_wait3A_218] : memref<4x80x64xf32, #tpu.memory_space<vmem>> -> memref<1x80x64xf32, #tpu.memory_space<vmem>>
        %dma_wait3A_220 = tpu.memref_squeeze %dma_wait3A_219 : memref<1x80x64xf32, #tpu.memory_space<vmem>> -> memref<80x64xf32, #tpu.memory_space<vmem>>
        %dma_wait3A_221 = arith.constant 0 : i32
        %dma_wait3A_222 = tpu.memref_slice %arg6[%sub3A_195, %dma_wait3A_221] : memref<125x80xi32, #tpu.memory_space<vmem>> -> memref<1x80xi32, #tpu.memory_space<vmem>>
        %dma_wait3A_223 = tpu.memref_squeeze %dma_wait3A_222 : memref<1x80xi32, #tpu.memory_space<vmem>> -> memref<80xi32, #tpu.memory_space<vmem>>
        %dma_wait3A_224 = arith.constant 0 : i32
        %dma_wait3A_225 = arith.constant 0 : i32
        %dma_wait3A_226 = tpu.memref_slice %arg9[%dma_wait3A_224, %dma_wait3A_225] : memref<10240x64xf32, #tpu.memory_space<vmem_shared>> -> memref<10240x64xf32, #tpu.memory_space<vmem_shared>>
        %dma_wait3A_227 = tpu.memref_slice %arg11[%dma_wait3A_216] : memref<4x!tpu.dma_semaphore, #tpu.memory_space<semaphore_mem>> -> memref<1x!tpu.dma_semaphore, #tpu.memory_space<semaphore_mem>>
        %dma_wait3A_228 = tpu.memref_squeeze %dma_wait3A_227 : memref<1x!tpu.dma_semaphore, #tpu.memory_space<semaphore_mem>> -> memref<!tpu.dma_semaphore, #tpu.memory_space<semaphore_mem>>
        tpu.wait_indirect_dma semaphore(%dma_wait3A_228 : memref<!tpu.dma_semaphore, #tpu.memory_space<semaphore_mem>>) src(%dma_wait3A_220 : memref<80x64xf32, #tpu.memory_space<vmem>>) dst(%dma_wait3A_226 : memref<10240x64xf32, #tpu.memory_space<vmem_shared>>)
      } else {
      }
      %add3A_204 = arith.constant 2 : i32
      %add3A_205 = arith.addi %add3A_191, %add3A_204 : i32
      %lt3A_206 = arith.constant 125 : i32
      %lt3A_207 = arith.cmpi slt, %add3A_205, %lt3A_206 : i32
      %convert_element_type3A_208 = arith.extui %lt3A_207 : i1 to i32
      %cond3A_209 = arith.constant 0 : i32
      %cond3A_210 = arith.cmpi ne, %convert_element_type3A_208, %cond3A_209 : i32
      scf.if %cond3A_210 {
        %add3A_216 = arith.constant 2 : i32
        %add3A_217 = arith.addi %add3A_191, %add3A_216 : i32
        %dma_start3A_218 = arith.constant 1 : i32
        %dma_start3A_219 = arith.constant 1 : i32
        %dma_start3A_220 = arith.constant 0 : i32
        %dma_start3A_221 = arith.constant 0 : i32
        %dma_start3A_222 = tpu.memref_slice %arg8[%dma_start3A_218, %dma_start3A_220, %dma_start3A_221] : memref<4x80x64xf32, #tpu.memory_space<vmem>> -> memref<1x80x64xf32, #tpu.memory_space<vmem>>
        %dma_start3A_223 = tpu.memref_squeeze %dma_start3A_222 : memref<1x80x64xf32, #tpu.memory_space<vmem>> -> memref<80x64xf32, #tpu.memory_space<vmem>>
        %dma_start3A_224 = arith.constant 0 : i32
        %dma_start3A_225 = tpu.memref_slice %arg7[%add3A_217, %dma_start3A_224] : memref<125x80xi32, #tpu.memory_space<vmem>> -> memref<1x80xi32, #tpu.memory_space<vmem>>
        %dma_start3A_226 = tpu.memref_squeeze %dma_start3A_225 : memref<1x80xi32, #tpu.memory_space<vmem>> -> memref<80xi32, #tpu.memory_space<vmem>>
        %dma_start3A_227 = arith.constant 0 : i32
        %dma_start3A_228 = arith.constant 0 : i32
        %dma_start3A_229 = tpu.memref_slice %arg3[%dma_start3A_227, %dma_start3A_228] : memref<40000x64xf32, #tpu.memory_space<hbm>> -> memref<40000x64xf32, #tpu.memory_space<hbm>>
        %dma_start3A_230 = tpu.memref_slice %arg10[%dma_start3A_219] : memref<4x!tpu.dma_semaphore, #tpu.memory_space<semaphore_mem>> -> memref<1x!tpu.dma_semaphore, #tpu.memory_space<semaphore_mem>>
        %dma_start3A_231 = tpu.memref_squeeze %dma_start3A_230 : memref<1x!tpu.dma_semaphore, #tpu.memory_space<semaphore_mem>> -> memref<!tpu.dma_semaphore, #tpu.memory_space<semaphore_mem>>
        tpu.enqueue_indirect_dma source(%dma_start3A_229 : memref<40000x64xf32, #tpu.memory_space<hbm>>) target(%dma_start3A_223 : memref<80x64xf32, #tpu.memory_space<vmem>>) offsets(%dma_start3A_226 : memref<80xi32, #tpu.memory_space<vmem>>) semaphore(%dma_start3A_231 : memref<!tpu.dma_semaphore, #tpu.memory_space<semaphore_mem>>)
      } else {
      }
      %lt3A_211 = arith.constant 125 : i32
      %lt3A_212 = arith.cmpi slt, %add3A_191, %lt3A_211 : i32
      %convert_element_type3A_213 = arith.extui %lt3A_212 : i1 to i32
      %cond3A_214 = arith.constant 0 : i32
      %cond3A_215 = arith.cmpi ne, %convert_element_type3A_213, %cond3A_214 : i32
      scf.if %cond3A_215 {
        %dma_wait3A = arith.constant 3 : i32
        %dma_wait3A_216 = arith.constant 3 : i32
        %dma_wait3A_217 = arith.constant 0 : i32
        %dma_wait3A_218 = arith.constant 0 : i32
        %dma_wait3A_219 = tpu.memref_slice %arg8[%dma_wait3A, %dma_wait3A_217, %dma_wait3A_218] : memref<4x80x64xf32, #tpu.memory_space<vmem>> -> memref<1x80x64xf32, #tpu.memory_space<vmem>>
        %dma_wait3A_220 = tpu.memref_squeeze %dma_wait3A_219 : memref<1x80x64xf32, #tpu.memory_space<vmem>> -> memref<80x64xf32, #tpu.memory_space<vmem>>
        %dma_wait3A_221 = arith.constant 0 : i32
        %dma_wait3A_222 = tpu.memref_slice %arg7[%add3A_191, %dma_wait3A_221] : memref<125x80xi32, #tpu.memory_space<vmem>> -> memref<1x80xi32, #tpu.memory_space<vmem>>
        %dma_wait3A_223 = tpu.memref_squeeze %dma_wait3A_222 : memref<1x80xi32, #tpu.memory_space<vmem>> -> memref<80xi32, #tpu.memory_space<vmem>>
        %dma_wait3A_224 = arith.constant 0 : i32
        %dma_wait3A_225 = arith.constant 0 : i32
        %dma_wait3A_226 = tpu.memref_slice %arg3[%dma_wait3A_224, %dma_wait3A_225] : memref<40000x64xf32, #tpu.memory_space<hbm>> -> memref<40000x64xf32, #tpu.memory_space<hbm>>
        %dma_wait3A_227 = tpu.memref_slice %arg10[%dma_wait3A_216] : memref<4x!tpu.dma_semaphore, #tpu.memory_space<semaphore_mem>> -> memref<1x!tpu.dma_semaphore, #tpu.memory_space<semaphore_mem>>
        %dma_wait3A_228 = tpu.memref_squeeze %dma_wait3A_227 : memref<1x!tpu.dma_semaphore, #tpu.memory_space<semaphore_mem>> -> memref<!tpu.dma_semaphore, #tpu.memory_space<semaphore_mem>>
        tpu.wait_indirect_dma semaphore(%dma_wait3A_228 : memref<!tpu.dma_semaphore, #tpu.memory_space<semaphore_mem>>) src(%dma_wait3A_226 : memref<40000x64xf32, #tpu.memory_space<hbm>>) dst(%dma_wait3A_220 : memref<80x64xf32, #tpu.memory_space<vmem>>)
        %dma_start3A_229 = arith.constant 3 : i32
        %dma_start3A_230 = arith.constant 3 : i32
        %dma_start3A_231 = arith.constant 0 : i32
        %dma_start3A_232 = arith.constant 0 : i32
        %dma_start3A_233 = tpu.memref_slice %arg8[%dma_start3A_229, %dma_start3A_231, %dma_start3A_232] : memref<4x80x64xf32, #tpu.memory_space<vmem>> -> memref<1x80x64xf32, #tpu.memory_space<vmem>>
        %dma_start3A_234 = tpu.memref_squeeze %dma_start3A_233 : memref<1x80x64xf32, #tpu.memory_space<vmem>> -> memref<80x64xf32, #tpu.memory_space<vmem>>
        %dma_start3A_235 = arith.constant 0 : i32
        %dma_start3A_236 = tpu.memref_slice %arg6[%add3A_191, %dma_start3A_235] : memref<125x80xi32, #tpu.memory_space<vmem>> -> memref<1x80xi32, #tpu.memory_space<vmem>>
        %dma_start3A_237 = tpu.memref_squeeze %dma_start3A_236 : memref<1x80xi32, #tpu.memory_space<vmem>> -> memref<80xi32, #tpu.memory_space<vmem>>
        %dma_start3A_238 = arith.constant 0 : i32
        %dma_start3A_239 = arith.constant 0 : i32
        %dma_start3A_240 = tpu.memref_slice %arg9[%dma_start3A_238, %dma_start3A_239] : memref<10240x64xf32, #tpu.memory_space<vmem_shared>> -> memref<10240x64xf32, #tpu.memory_space<vmem_shared>>
        %dma_start3A_241 = tpu.memref_slice %arg11[%dma_start3A_230] : memref<4x!tpu.dma_semaphore, #tpu.memory_space<semaphore_mem>> -> memref<1x!tpu.dma_semaphore, #tpu.memory_space<semaphore_mem>>
        %dma_start3A_242 = tpu.memref_squeeze %dma_start3A_241 : memref<1x!tpu.dma_semaphore, #tpu.memory_space<semaphore_mem>> -> memref<!tpu.dma_semaphore, #tpu.memory_space<semaphore_mem>>
        tpu.enqueue_indirect_dma source(%dma_start3A_234 : memref<80x64xf32, #tpu.memory_space<vmem>>) target(%dma_start3A_240 : memref<10240x64xf32, #tpu.memory_space<vmem_shared>>) offsets(%dma_start3A_237 : memref<80xi32, #tpu.memory_space<vmem>>) semaphore(%dma_start3A_242 : memref<!tpu.dma_semaphore, #tpu.memory_space<semaphore_mem>>) {add = true}
      } else {
      }
    }
    %scan3A_46 = arith.constant 32 : i32
    %barrier3A_47 = arith.constant 0 : index
    tpu.barrier barrier_id(%barrier3A_47)
    %mul3A_48 = arith.constant 640 : i32
    %mul3A_49 = arith.muli %arg1, %mul3A_48 : i32
    %mul3A_50 = arith.constant 10240 : i32
    %mul3A_51 = arith.muli %arg0, %mul3A_50 : i32
    %mul3A_52 = arith.constant 640 : i32
    %mul3A_53 = arith.muli %arg1, %mul3A_52 : i32
    %add3A_54 = arith.addi %mul3A_51, %mul3A_53 : i32
    "tpu.region"() ({
      %run_scoped3A_114 = tpu.sem_alloc : memref<!tpu.dma_semaphore, #tpu.memory_space<semaphore_mem>>
      %dma_start3A_115 = arith.constant 0 : i32
      %dma_start3A_116 = tpu.memref_slice %arg5[%add3A_54, %dma_start3A_115] : memref<20480x128xf32, #tpu.memory_space<hbm>> -> memref<640x64xf32, #tpu.memory_space<hbm>>
      %dma_start3A_117 = arith.constant 0 : i32
      %dma_start3A_118 = tpu.memref_slice %arg9[%mul3A_49, %dma_start3A_117] : memref<10240x64xf32, #tpu.memory_space<vmem_shared>> -> memref<640x64xf32, #tpu.memory_space<vmem_shared>>
      tpu.enqueue_dma source(%dma_start3A_118 : memref<640x64xf32, #tpu.memory_space<vmem_shared>>) target(%dma_start3A_116 : memref<640x64xf32, #tpu.memory_space<hbm>>) target_semaphore(%run_scoped3A_114 : memref<!tpu.dma_semaphore, #tpu.memory_space<semaphore_mem>>)
      %dma_wait3A = arith.constant 0 : i32
      %dma_wait3A_119 = tpu.memref_slice %arg5[%add3A_54, %dma_wait3A] : memref<20480x128xf32, #tpu.memory_space<hbm>> -> memref<640x64xf32, #tpu.memory_space<hbm>>
      %dma_wait3A_120 = arith.constant 0 : i32
      %dma_wait3A_121 = tpu.memref_slice %arg9[%mul3A_49, %dma_wait3A_120] : memref<10240x64xf32, #tpu.memory_space<vmem_shared>> -> memref<640x64xf32, #tpu.memory_space<vmem_shared>>
      tpu.wait_dma2 semaphore(%run_scoped3A_114 : memref<!tpu.dma_semaphore, #tpu.memory_space<semaphore_mem>>) src(%dma_wait3A_121 : memref<640x64xf32, #tpu.memory_space<vmem_shared>>) dst(%dma_wait3A_119 : memref<640x64xf32, #tpu.memory_space<hbm>>)
      tpu.yield
    }) : () -> ()
    %mul3A_55 = arith.constant 2 : i32
    %mul3A_56 = arith.muli %arg0, %mul3A_55 : i32
    %add3A_57 = arith.constant 1 : i32
    %add3A_58 = arith.addi %mul3A_56, %add3A_57 : i32
    %broadcast_in_dim3A_59 = arith.constant 1 : i32
    %broadcast_in_dim3A_60 = vector.broadcast %broadcast_in_dim3A_59 : i32 to vector<16xi32>
    %scan3A_61 = arith.constant 0 : i32
    %scan3A_62 = arith.constant 125 : i32
    %scan3A_63 = arith.addi %scan3A_61, %scan3A_62 : i32
    %scan3A_64 = arith.constant 1 : i32
    scf.for %scan3A_114 = %scan3A_61 to %scan3A_63 step %scan3A_64  : i32 {
      %mul3A_115 = arith.constant 1 : i32
      %mul3A_116 = arith.muli %scan3A_114, %mul3A_115 : i32
      %add3A_117 = arith.constant 0 : i32
      %add3A_118 = arith.addi %add3A_117, %mul3A_116 : i32
      %get3A = arith.index_cast %add3A_118 : i32 to index
      %get3A_119 = arith.constant 0 : index
      %get3A_120 = tpu.vector_load %arg7[%get3A, %get3A_119] {strides = array<i32>} : memref<125x80xi32, #tpu.memory_space<vmem>>, vector<1x16xi32>,
      %get3A_121 = vector.shape_cast %get3A_120 : vector<1x16xi32> to vector<16xi32>
      %add3A_122 = arith.addi %get3A_121, %broadcast_in_dim3A_60 : vector<16xi32>
      %swap3A = arith.index_cast %add3A_118 : i32 to index
      %swap3A_123 = arith.constant 0 : index
      %swap3A_124 = tpu.vector_load %arg7[%swap3A, %swap3A_123] {strides = array<i32>} : memref<125x80xi32, #tpu.memory_space<vmem>>, vector<1x16xi32>,
      %swap3A_125 = vector.shape_cast %swap3A_124 : vector<1x16xi32> to vector<16xi32>
      %swap3A_126 = vector.shape_cast %add3A_122 : vector<16xi32> to vector<1x16xi32>
      tpu.vector_store %arg7[%swap3A, %swap3A_123], %swap3A_126 {strides = array<i32>} : memref<125x80xi32, #tpu.memory_space<vmem>>, vector<1x16xi32>,
      %get3A_127 = arith.index_cast %add3A_118 : i32 to index
      %get3A_128 = arith.constant 16 : index
      %get3A_129 = tpu.vector_load %arg7[%get3A_127, %get3A_128] {strides = array<i32>} : memref<125x80xi32, #tpu.memory_space<vmem>>, vector<1x16xi32>,
      %get3A_130 = vector.shape_cast %get3A_129 : vector<1x16xi32> to vector<16xi32>
      %add3A_131 = arith.addi %get3A_130, %broadcast_in_dim3A_60 : vector<16xi32>
      %swap3A_132 = arith.index_cast %add3A_118 : i32 to index
      %swap3A_133 = arith.constant 16 : index
      %swap3A_134 = tpu.vector_load %arg7[%swap3A_132, %swap3A_133] {strides = array<i32>} : memref<125x80xi32, #tpu.memory_space<vmem>>, vector<1x16xi32>,
      %swap3A_135 = vector.shape_cast %swap3A_134 : vector<1x16xi32> to vector<16xi32>
      %swap3A_136 = vector.shape_cast %add3A_131 : vector<16xi32> to vector<1x16xi32>
      tpu.vector_store %arg7[%swap3A_132, %swap3A_133], %swap3A_136 {strides = array<i32>} : memref<125x80xi32, #tpu.memory_space<vmem>>, vector<1x16xi32>,
      %get3A_137 = arith.index_cast %add3A_118 : i32 to index
      %get3A_138 = arith.constant 32 : index
      %get3A_139 = tpu.vector_load %arg7[%get3A_137, %get3A_138] {strides = array<i32>} : memref<125x80xi32, #tpu.memory_space<vmem>>, vector<1x16xi32>,
      %get3A_140 = vector.shape_cast %get3A_139 : vector<1x16xi32> to vector<16xi32>
      %add3A_141 = arith.addi %get3A_140, %broadcast_in_dim3A_60 : vector<16xi32>
      %swap3A_142 = arith.index_cast %add3A_118 : i32 to index
      %swap3A_143 = arith.constant 32 : index
      %swap3A_144 = tpu.vector_load %arg7[%swap3A_142, %swap3A_143] {strides = array<i32>} : memref<125x80xi32, #tpu.memory_space<vmem>>, vector<1x16xi32>,
      %swap3A_145 = vector.shape_cast %swap3A_144 : vector<1x16xi32> to vector<16xi32>
      %swap3A_146 = vector.shape_cast %add3A_141 : vector<16xi32> to vector<1x16xi32>
      tpu.vector_store %arg7[%swap3A_142, %swap3A_143], %swap3A_146 {strides = array<i32>} : memref<125x80xi32, #tpu.memory_space<vmem>>, vector<1x16xi32>,
      %get3A_147 = arith.index_cast %add3A_118 : i32 to index
      %get3A_148 = arith.constant 48 : index
      %get3A_149 = tpu.vector_load %arg7[%get3A_147, %get3A_148] {strides = array<i32>} : memref<125x80xi32, #tpu.memory_space<vmem>>, vector<1x16xi32>,
      %get3A_150 = vector.shape_cast %get3A_149 : vector<1x16xi32> to vector<16xi32>
      %add3A_151 = arith.addi %get3A_150, %broadcast_in_dim3A_60 : vector<16xi32>
      %swap3A_152 = arith.index_cast %add3A_118 : i32 to index
      %swap3A_153 = arith.constant 48 : index
      %swap3A_154 = tpu.vector_load %arg7[%swap3A_152, %swap3A_153] {strides = array<i32>} : memref<125x80xi32, #tpu.memory_space<vmem>>, vector<1x16xi32>,
      %swap3A_155 = vector.shape_cast %swap3A_154 : vector<1x16xi32> to vector<16xi32>
      %swap3A_156 = vector.shape_cast %add3A_151 : vector<16xi32> to vector<1x16xi32>
      tpu.vector_store %arg7[%swap3A_152, %swap3A_153], %swap3A_156 {strides = array<i32>} : memref<125x80xi32, #tpu.memory_space<vmem>>, vector<1x16xi32>,
      %get3A_157 = arith.index_cast %add3A_118 : i32 to index
      %get3A_158 = arith.constant 64 : index
      %get3A_159 = tpu.vector_load %arg7[%get3A_157, %get3A_158] {strides = array<i32>} : memref<125x80xi32, #tpu.memory_space<vmem>>, vector<1x16xi32>,
      %get3A_160 = vector.shape_cast %get3A_159 : vector<1x16xi32> to vector<16xi32>
      %add3A_161 = arith.addi %get3A_160, %broadcast_in_dim3A_60 : vector<16xi32>
      %swap3A_162 = arith.index_cast %add3A_118 : i32 to index
      %swap3A_163 = arith.constant 64 : index
      %swap3A_164 = tpu.vector_load %arg7[%swap3A_162, %swap3A_163] {strides = array<i32>} : memref<125x80xi32, #tpu.memory_space<vmem>>, vector<1x16xi32>,
      %swap3A_165 = vector.shape_cast %swap3A_164 : vector<1x16xi32> to vector<16xi32>
      %swap3A_166 = vector.shape_cast %add3A_161 : vector<16xi32> to vector<1x16xi32>
      tpu.vector_store %arg7[%swap3A_162, %swap3A_163], %swap3A_166 {strides = array<i32>} : memref<125x80xi32, #tpu.memory_space<vmem>>, vector<1x16xi32>,
    }
    %scan3A_65 = arith.constant 125 : i32
    %mul3A_66 = arith.constant 640 : i32
    %mul3A_67 = arith.muli %arg1, %mul3A_66 : i32
    %mul3A_68 = arith.constant 640 : i32
    %mul3A_69 = arith.muli %arg1, %mul3A_68 : i32
    "tpu.region"() ({
      %run_scoped3A_114 = tpu.sem_alloc : memref<!tpu.dma_semaphore, #tpu.memory_space<semaphore_mem>>
      %dma_start3A_115 = arith.constant 0 : i32
      %dma_start3A_116 = tpu.memref_slice %arg9[%mul3A_69, %dma_start3A_115] : memref<10240x64xf32, #tpu.memory_space<vmem_shared>> -> memref<640x64xf32, #tpu.memory_space<vmem_shared>>
      %dma_start3A_117 = arith.constant 0 : i32
      %dma_start3A_118 = tpu.memref_slice %arg4[%mul3A_67, %dma_start3A_117] : memref<10240x64xf32, #tpu.memory_space<hbm>> -> memref<640x64xf32, #tpu.memory_space<hbm>>
      tpu.enqueue_dma source(%dma_start3A_118 : memref<640x64xf32, #tpu.memory_space<hbm>>) target(%dma_start3A_116 : memref<640x64xf32, #tpu.memory_space<vmem_shared>>) target_semaphore(%run_scoped3A_114 : memref<!tpu.dma_semaphore, #tpu.memory_space<semaphore_mem>>)
      %dma_wait3A = arith.constant 0 : i32
      %dma_wait3A_119 = tpu.memref_slice %arg9[%mul3A_69, %dma_wait3A] : memref<10240x64xf32, #tpu.memory_space<vmem_shared>> -> memref<640x64xf32, #tpu.memory_space<vmem_shared>>
      %dma_wait3A_120 = arith.constant 0 : i32
      %dma_wait3A_121 = tpu.memref_slice %arg4[%mul3A_67, %dma_wait3A_120] : memref<10240x64xf32, #tpu.memory_space<hbm>> -> memref<640x64xf32, #tpu.memory_space<hbm>>
      tpu.wait_dma2 semaphore(%run_scoped3A_114 : memref<!tpu.dma_semaphore, #tpu.memory_space<semaphore_mem>>) src(%dma_wait3A_121 : memref<640x64xf32, #tpu.memory_space<hbm>>) dst(%dma_wait3A_119 : memref<640x64xf32, #tpu.memory_space<vmem_shared>>)
      tpu.yield
    }) : () -> ()
    %barrier3A_70 = arith.constant 0 : index
    tpu.barrier barrier_id(%barrier3A_70)
    %dma_start3A_71 = arith.constant 0 : i32
    %dma_start3A_72 = arith.constant 0 : i32
    %dma_start3A_73 = arith.constant 0 : i32
    %dma_start3A_74 = arith.constant 0 : i32
    %dma_start3A_75 = arith.constant 0 : i32
    %dma_start3A_76 = tpu.memref_slice %arg8[%dma_start3A_72, %dma_start3A_74, %dma_start3A_75] : memref<4x80x64xf32, #tpu.memory_space<vmem>> -> memref<1x80x64xf32, #tpu.memory_space<vmem>>
    %dma_start3A_77 = tpu.memref_squeeze %dma_start3A_76 : memref<1x80x64xf32, #tpu.memory_space<vmem>> -> memref<80x64xf32, #tpu.memory_space<vmem>>
    %dma_start3A_78 = arith.constant 0 : i32
    %dma_start3A_79 = tpu.memref_slice %arg7[%dma_start3A_71, %dma_start3A_78] : memref<125x80xi32, #tpu.memory_space<vmem>> -> memref<1x80xi32, #tpu.memory_space<vmem>>
    %dma_start3A_80 = tpu.memref_squeeze %dma_start3A_79 : memref<1x80xi32, #tpu.memory_space<vmem>> -> memref<80xi32, #tpu.memory_space<vmem>>
    %dma_start3A_81 = arith.constant 0 : i32
    %dma_start3A_82 = arith.constant 0 : i32
    %dma_start3A_83 = tpu.memref_slice %arg3[%dma_start3A_81, %dma_start3A_82] : memref<40000x64xf32, #tpu.memory_space<hbm>> -> memref<40000x64xf32, #tpu.memory_space<hbm>>
    %dma_start3A_84 = tpu.memref_slice %arg10[%dma_start3A_73] : memref<4x!tpu.dma_semaphore, #tpu.memory_space<semaphore_mem>> -> memref<1x!tpu.dma_semaphore, #tpu.memory_space<semaphore_mem>>
    %dma_start3A_85 = tpu.memref_squeeze %dma_start3A_84 : memref<1x!tpu.dma_semaphore, #tpu.memory_space<semaphore_mem>> -> memref<!tpu.dma_semaphore, #tpu.memory_space<semaphore_mem>>
    tpu.enqueue_indirect_dma source(%dma_start3A_83 : memref<40000x64xf32, #tpu.memory_space<hbm>>) target(%dma_start3A_77 : memref<80x64xf32, #tpu.memory_space<vmem>>) offsets(%dma_start3A_80 : memref<80xi32, #tpu.memory_space<vmem>>) semaphore(%dma_start3A_85 : memref<!tpu.dma_semaphore, #tpu.memory_space<semaphore_mem>>)
    %dma_start3A_86 = arith.constant 1 : i32
    %dma_start3A_87 = arith.constant 1 : i32
    %dma_start3A_88 = arith.constant 1 : i32
    %dma_start3A_89 = arith.constant 0 : i32
    %dma_start3A_90 = arith.constant 0 : i32
    %dma_start3A_91 = tpu.memref_slice %arg8[%dma_start3A_87, %dma_start3A_89, %dma_start3A_90] : memref<4x80x64xf32, #tpu.memory_space<vmem>> -> memref<1x80x64xf32, #tpu.memory_space<vmem>>
    %dma_start3A_92 = tpu.memref_squeeze %dma_start3A_91 : memref<1x80x64xf32, #tpu.memory_space<vmem>> -> memref<80x64xf32, #tpu.memory_space<vmem>>
    %dma_start3A_93 = arith.constant 0 : i32
    %dma_start3A_94 = tpu.memref_slice %arg7[%dma_start3A_86, %dma_start3A_93] : memref<125x80xi32, #tpu.memory_space<vmem>> -> memref<1x80xi32, #tpu.memory_space<vmem>>
    %dma_start3A_95 = tpu.memref_squeeze %dma_start3A_94 : memref<1x80xi32, #tpu.memory_space<vmem>> -> memref<80xi32, #tpu.memory_space<vmem>>
    %dma_start3A_96 = arith.constant 0 : i32
    %dma_start3A_97 = arith.constant 0 : i32
    %dma_start3A_98 = tpu.memref_slice %arg3[%dma_start3A_96, %dma_start3A_97] : memref<40000x64xf32, #tpu.memory_space<hbm>> -> memref<40000x64xf32, #tpu.memory_space<hbm>>
    %dma_start3A_99 = tpu.memref_slice %arg10[%dma_start3A_88] : memref<4x!tpu.dma_semaphore, #tpu.memory_space<semaphore_mem>> -> memref<1x!tpu.dma_semaphore, #tpu.memory_space<semaphore_mem>>
    %dma_start3A_100 = tpu.memref_squeeze %dma_start3A_99 : memref<1x!tpu.dma_semaphore, #tpu.memory_space<semaphore_mem>> -> memref<!tpu.dma_semaphore, #tpu.memory_space<semaphore_mem>>
    tpu.enqueue_indirect_dma source(%dma_start3A_98 : memref<40000x64xf32, #tpu.memory_space<hbm>>) target(%dma_start3A_92 : memref<80x64xf32, #tpu.memory_space<vmem>>) offsets(%dma_start3A_95 : memref<80xi32, #tpu.memory_space<vmem>>) semaphore(%dma_start3A_100 : memref<!tpu.dma_semaphore, #tpu.memory_space<semaphore_mem>>)
    %scan3A_101 = arith.constant 0 : i32
    %scan3A_102 = arith.constant 32 : i32
    %scan3A_103 = arith.addi %scan3A_101, %scan3A_102 : i32
    %scan3A_104 = arith.constant 1 : i32
    scf.for %scan3A_114 = %scan3A_101 to %scan3A_103 step %scan3A_104  : i32 {
      %mul3A_115 = arith.constant 4 : i32
      %mul3A_116 = arith.muli %scan3A_114, %mul3A_115 : i32
      %add3A_117 = arith.constant 0 : i32
      %add3A_118 = arith.addi %add3A_117, %mul3A_116 : i32
      %add3A_119 = arith.constant 0 : i32
      %add3A_120 = arith.addi %add3A_118, %add3A_119 : i32
      %add3A_121 = arith.constant 2 : i32
      %add3A_122 = arith.addi %add3A_120, %add3A_121 : i32
      %sub3A = arith.constant 4 : i32
      %sub3A_123 = arith.subi %add3A_122, %sub3A : i32
      %ge3A = arith.constant 0 : i32
      %ge3A_124 = arith.cmpi sge, %sub3A_123, %ge3A : i32
      %le3A = arith.constant 124 : i32
      %le3A_125 = arith.cmpi sle, %sub3A_123, %le3A : i32
      %and3A = arith.andi %ge3A_124, %le3A_125 : i1
      %convert_element_type3A = arith.extui %and3A : i1 to i32
      %cond3A = arith.constant 0 : i32
      %cond3A_126 = arith.cmpi ne, %convert_element_type3A, %cond3A : i32
      scf.if %cond3A_126 {
        %dma_wait3A = arith.constant 2 : i32
        %dma_wait3A_216 = arith.constant 2 : i32
        %dma_wait3A_217 = arith.constant 0 : i32
        %dma_wait3A_218 = arith.constant 0 : i32
        %dma_wait3A_219 = tpu.memref_slice %arg8[%dma_wait3A, %dma_wait3A_217, %dma_wait3A_218] : memref<4x80x64xf32, #tpu.memory_space<vmem>> -> memref<1x80x64xf32, #tpu.memory_space<vmem>>
        %dma_wait3A_220 = tpu.memref_squeeze %dma_wait3A_219 : memref<1x80x64xf32, #tpu.memory_space<vmem>> -> memref<80x64xf32, #tpu.memory_space<vmem>>
        %dma_wait3A_221 = arith.constant 0 : i32
        %dma_wait3A_222 = tpu.memref_slice %arg6[%sub3A_123, %dma_wait3A_221] : memref<125x80xi32, #tpu.memory_space<vmem>> -> memref<1x80xi32, #tpu.memory_space<vmem>>
        %dma_wait3A_223 = tpu.memref_squeeze %dma_wait3A_222 : memref<1x80xi32, #tpu.memory_space<vmem>> -> memref<80xi32, #tpu.memory_space<vmem>>
        %dma_wait3A_224 = arith.constant 0 : i32
        %dma_wait3A_225 = arith.constant 0 : i32
        %dma_wait3A_226 = tpu.memref_slice %arg9[%dma_wait3A_224, %dma_wait3A_225] : memref<10240x64xf32, #tpu.memory_space<vmem_shared>> -> memref<10240x64xf32, #tpu.memory_space<vmem_shared>>
        %dma_wait3A_227 = tpu.memref_slice %arg11[%dma_wait3A_216] : memref<4x!tpu.dma_semaphore, #tpu.memory_space<semaphore_mem>> -> memref<1x!tpu.dma_semaphore, #tpu.memory_space<semaphore_mem>>
        %dma_wait3A_228 = tpu.memref_squeeze %dma_wait3A_227 : memref<1x!tpu.dma_semaphore, #tpu.memory_space<semaphore_mem>> -> memref<!tpu.dma_semaphore, #tpu.memory_space<semaphore_mem>>
        tpu.wait_indirect_dma semaphore(%dma_wait3A_228 : memref<!tpu.dma_semaphore, #tpu.memory_space<semaphore_mem>>) src(%dma_wait3A_220 : memref<80x64xf32, #tpu.memory_space<vmem>>) dst(%dma_wait3A_226 : memref<10240x64xf32, #tpu.memory_space<vmem_shared>>)
      } else {
      }
      %add3A_127 = arith.constant 2 : i32
      %add3A_128 = arith.addi %add3A_120, %add3A_127 : i32
      %lt3A = arith.constant 125 : i32
      %lt3A_129 = arith.cmpi slt, %add3A_128, %lt3A : i32
      %convert_element_type3A_130 = arith.extui %lt3A_129 : i1 to i32
      %cond3A_131 = arith.constant 0 : i32
      %cond3A_132 = arith.cmpi ne, %convert_element_type3A_130, %cond3A_131 : i32
      scf.if %cond3A_132 {
        %add3A_216 = arith.constant 2 : i32
        %add3A_217 = arith.addi %add3A_120, %add3A_216 : i32
        %dma_start3A_218 = arith.constant 2 : i32
        %dma_start3A_219 = arith.constant 2 : i32
        %dma_start3A_220 = arith.constant 0 : i32
        %dma_start3A_221 = arith.constant 0 : i32
        %dma_start3A_222 = tpu.memref_slice %arg8[%dma_start3A_218, %dma_start3A_220, %dma_start3A_221] : memref<4x80x64xf32, #tpu.memory_space<vmem>> -> memref<1x80x64xf32, #tpu.memory_space<vmem>>
        %dma_start3A_223 = tpu.memref_squeeze %dma_start3A_222 : memref<1x80x64xf32, #tpu.memory_space<vmem>> -> memref<80x64xf32, #tpu.memory_space<vmem>>
        %dma_start3A_224 = arith.constant 0 : i32
        %dma_start3A_225 = tpu.memref_slice %arg7[%add3A_217, %dma_start3A_224] : memref<125x80xi32, #tpu.memory_space<vmem>> -> memref<1x80xi32, #tpu.memory_space<vmem>>
        %dma_start3A_226 = tpu.memref_squeeze %dma_start3A_225 : memref<1x80xi32, #tpu.memory_space<vmem>> -> memref<80xi32, #tpu.memory_space<vmem>>
        %dma_start3A_227 = arith.constant 0 : i32
        %dma_start3A_228 = arith.constant 0 : i32
        %dma_start3A_229 = tpu.memref_slice %arg3[%dma_start3A_227, %dma_start3A_228] : memref<40000x64xf32, #tpu.memory_space<hbm>> -> memref<40000x64xf32, #tpu.memory_space<hbm>>
        %dma_start3A_230 = tpu.memref_slice %arg10[%dma_start3A_219] : memref<4x!tpu.dma_semaphore, #tpu.memory_space<semaphore_mem>> -> memref<1x!tpu.dma_semaphore, #tpu.memory_space<semaphore_mem>>
        %dma_start3A_231 = tpu.memref_squeeze %dma_start3A_230 : memref<1x!tpu.dma_semaphore, #tpu.memory_space<semaphore_mem>> -> memref<!tpu.dma_semaphore, #tpu.memory_space<semaphore_mem>>
        tpu.enqueue_indirect_dma source(%dma_start3A_229 : memref<40000x64xf32, #tpu.memory_space<hbm>>) target(%dma_start3A_223 : memref<80x64xf32, #tpu.memory_space<vmem>>) offsets(%dma_start3A_226 : memref<80xi32, #tpu.memory_space<vmem>>) semaphore(%dma_start3A_231 : memref<!tpu.dma_semaphore, #tpu.memory_space<semaphore_mem>>)
      } else {
      }
      %lt3A_133 = arith.constant 125 : i32
      %lt3A_134 = arith.cmpi slt, %add3A_120, %lt3A_133 : i32
      %convert_element_type3A_135 = arith.extui %lt3A_134 : i1 to i32
      %cond3A_136 = arith.constant 0 : i32
      %cond3A_137 = arith.cmpi ne, %convert_element_type3A_135, %cond3A_136 : i32
      scf.if %cond3A_137 {
        %dma_wait3A = arith.constant 0 : i32
        %dma_wait3A_216 = arith.constant 0 : i32
        %dma_wait3A_217 = arith.constant 0 : i32
        %dma_wait3A_218 = arith.constant 0 : i32
        %dma_wait3A_219 = tpu.memref_slice %arg8[%dma_wait3A, %dma_wait3A_217, %dma_wait3A_218] : memref<4x80x64xf32, #tpu.memory_space<vmem>> -> memref<1x80x64xf32, #tpu.memory_space<vmem>>
        %dma_wait3A_220 = tpu.memref_squeeze %dma_wait3A_219 : memref<1x80x64xf32, #tpu.memory_space<vmem>> -> memref<80x64xf32, #tpu.memory_space<vmem>>
        %dma_wait3A_221 = arith.constant 0 : i32
        %dma_wait3A_222 = tpu.memref_slice %arg7[%add3A_120, %dma_wait3A_221] : memref<125x80xi32, #tpu.memory_space<vmem>> -> memref<1x80xi32, #tpu.memory_space<vmem>>
        %dma_wait3A_223 = tpu.memref_squeeze %dma_wait3A_222 : memref<1x80xi32, #tpu.memory_space<vmem>> -> memref<80xi32, #tpu.memory_space<vmem>>
        %dma_wait3A_224 = arith.constant 0 : i32
        %dma_wait3A_225 = arith.constant 0 : i32
        %dma_wait3A_226 = tpu.memref_slice %arg3[%dma_wait3A_224, %dma_wait3A_225] : memref<40000x64xf32, #tpu.memory_space<hbm>> -> memref<40000x64xf32, #tpu.memory_space<hbm>>
        %dma_wait3A_227 = tpu.memref_slice %arg10[%dma_wait3A_216] : memref<4x!tpu.dma_semaphore, #tpu.memory_space<semaphore_mem>> -> memref<1x!tpu.dma_semaphore, #tpu.memory_space<semaphore_mem>>
        %dma_wait3A_228 = tpu.memref_squeeze %dma_wait3A_227 : memref<1x!tpu.dma_semaphore, #tpu.memory_space<semaphore_mem>> -> memref<!tpu.dma_semaphore, #tpu.memory_space<semaphore_mem>>
        tpu.wait_indirect_dma semaphore(%dma_wait3A_228 : memref<!tpu.dma_semaphore, #tpu.memory_space<semaphore_mem>>) src(%dma_wait3A_226 : memref<40000x64xf32, #tpu.memory_space<hbm>>) dst(%dma_wait3A_220 : memref<80x64xf32, #tpu.memory_space<vmem>>)
        %dma_start3A_229 = arith.constant 0 : i32
        %dma_start3A_230 = arith.constant 0 : i32
        %dma_start3A_231 = arith.constant 0 : i32
        %dma_start3A_232 = arith.constant 0 : i32
        %dma_start3A_233 = tpu.memref_slice %arg8[%dma_start3A_229, %dma_start3A_231, %dma_start3A_232] : memref<4x80x64xf32, #tpu.memory_space<vmem>> -> memref<1x80x64xf32, #tpu.memory_space<vmem>>
        %dma_start3A_234 = tpu.memref_squeeze %dma_start3A_233 : memref<1x80x64xf32, #tpu.memory_space<vmem>> -> memref<80x64xf32, #tpu.memory_space<vmem>>
        %dma_start3A_235 = arith.constant 0 : i32
        %dma_start3A_236 = tpu.memref_slice %arg6[%add3A_120, %dma_start3A_235] : memref<125x80xi32, #tpu.memory_space<vmem>> -> memref<1x80xi32, #tpu.memory_space<vmem>>
        %dma_start3A_237 = tpu.memref_squeeze %dma_start3A_236 : memref<1x80xi32, #tpu.memory_space<vmem>> -> memref<80xi32, #tpu.memory_space<vmem>>
        %dma_start3A_238 = arith.constant 0 : i32
        %dma_start3A_239 = arith.constant 0 : i32
        %dma_start3A_240 = tpu.memref_slice %arg9[%dma_start3A_238, %dma_start3A_239] : memref<10240x64xf32, #tpu.memory_space<vmem_shared>> -> memref<10240x64xf32, #tpu.memory_space<vmem_shared>>
        %dma_start3A_241 = tpu.memref_slice %arg11[%dma_start3A_230] : memref<4x!tpu.dma_semaphore, #tpu.memory_space<semaphore_mem>> -> memref<1x!tpu.dma_semaphore, #tpu.memory_space<semaphore_mem>>
        %dma_start3A_242 = tpu.memref_squeeze %dma_start3A_241 : memref<1x!tpu.dma_semaphore, #tpu.memory_space<semaphore_mem>> -> memref<!tpu.dma_semaphore, #tpu.memory_space<semaphore_mem>>
        tpu.enqueue_indirect_dma source(%dma_start3A_234 : memref<80x64xf32, #tpu.memory_space<vmem>>) target(%dma_start3A_240 : memref<10240x64xf32, #tpu.memory_space<vmem_shared>>) offsets(%dma_start3A_237 : memref<80xi32, #tpu.memory_space<vmem>>) semaphore(%dma_start3A_242 : memref<!tpu.dma_semaphore, #tpu.memory_space<semaphore_mem>>) {add = true}
      } else {
      }
      %add3A_138 = arith.constant 1 : i32
      %add3A_139 = arith.addi %add3A_118, %add3A_138 : i32
      %add3A_140 = arith.constant 2 : i32
      %add3A_141 = arith.addi %add3A_139, %add3A_140 : i32
      %sub3A_142 = arith.constant 4 : i32
      %sub3A_143 = arith.subi %add3A_141, %sub3A_142 : i32
      %ge3A_144 = arith.constant 0 : i32
      %ge3A_145 = arith.cmpi sge, %sub3A_143, %ge3A_144 : i32
      %le3A_146 = arith.constant 124 : i32
      %le3A_147 = arith.cmpi sle, %sub3A_143, %le3A_146 : i32
      %and3A_148 = arith.andi %ge3A_145, %le3A_147 : i1
      %convert_element_type3A_149 = arith.extui %and3A_148 : i1 to i32
      %cond3A_150 = arith.constant 0 : i32
      %cond3A_151 = arith.cmpi ne, %convert_element_type3A_149, %cond3A_150 : i32
      scf.if %cond3A_151 {
        %dma_wait3A = arith.constant 3 : i32
        %dma_wait3A_216 = arith.constant 3 : i32
        %dma_wait3A_217 = arith.constant 0 : i32
        %dma_wait3A_218 = arith.constant 0 : i32
        %dma_wait3A_219 = tpu.memref_slice %arg8[%dma_wait3A, %dma_wait3A_217, %dma_wait3A_218] : memref<4x80x64xf32, #tpu.memory_space<vmem>> -> memref<1x80x64xf32, #tpu.memory_space<vmem>>
        %dma_wait3A_220 = tpu.memref_squeeze %dma_wait3A_219 : memref<1x80x64xf32, #tpu.memory_space<vmem>> -> memref<80x64xf32, #tpu.memory_space<vmem>>
        %dma_wait3A_221 = arith.constant 0 : i32
        %dma_wait3A_222 = tpu.memref_slice %arg6[%sub3A_143, %dma_wait3A_221] : memref<125x80xi32, #tpu.memory_space<vmem>> -> memref<1x80xi32, #tpu.memory_space<vmem>>
        %dma_wait3A_223 = tpu.memref_squeeze %dma_wait3A_222 : memref<1x80xi32, #tpu.memory_space<vmem>> -> memref<80xi32, #tpu.memory_space<vmem>>
        %dma_wait3A_224 = arith.constant 0 : i32
        %dma_wait3A_225 = arith.constant 0 : i32
        %dma_wait3A_226 = tpu.memref_slice %arg9[%dma_wait3A_224, %dma_wait3A_225] : memref<10240x64xf32, #tpu.memory_space<vmem_shared>> -> memref<10240x64xf32, #tpu.memory_space<vmem_shared>>
        %dma_wait3A_227 = tpu.memref_slice %arg11[%dma_wait3A_216] : memref<4x!tpu.dma_semaphore, #tpu.memory_space<semaphore_mem>> -> memref<1x!tpu.dma_semaphore, #tpu.memory_space<semaphore_mem>>
        %dma_wait3A_228 = tpu.memref_squeeze %dma_wait3A_227 : memref<1x!tpu.dma_semaphore, #tpu.memory_space<semaphore_mem>> -> memref<!tpu.dma_semaphore, #tpu.memory_space<semaphore_mem>>
        tpu.wait_indirect_dma semaphore(%dma_wait3A_228 : memref<!tpu.dma_semaphore, #tpu.memory_space<semaphore_mem>>) src(%dma_wait3A_220 : memref<80x64xf32, #tpu.memory_space<vmem>>) dst(%dma_wait3A_226 : memref<10240x64xf32, #tpu.memory_space<vmem_shared>>)
      } else {
      }
      %add3A_152 = arith.constant 2 : i32
      %add3A_153 = arith.addi %add3A_139, %add3A_152 : i32
      %lt3A_154 = arith.constant 125 : i32
      %lt3A_155 = arith.cmpi slt, %add3A_153, %lt3A_154 : i32
      %convert_element_type3A_156 = arith.extui %lt3A_155 : i1 to i32
      %cond3A_157 = arith.constant 0 : i32
      %cond3A_158 = arith.cmpi ne, %convert_element_type3A_156, %cond3A_157 : i32
      scf.if %cond3A_158 {
        %add3A_216 = arith.constant 2 : i32
        %add3A_217 = arith.addi %add3A_139, %add3A_216 : i32
        %dma_start3A_218 = arith.constant 3 : i32
        %dma_start3A_219 = arith.constant 3 : i32
        %dma_start3A_220 = arith.constant 0 : i32
        %dma_start3A_221 = arith.constant 0 : i32
        %dma_start3A_222 = tpu.memref_slice %arg8[%dma_start3A_218, %dma_start3A_220, %dma_start3A_221] : memref<4x80x64xf32, #tpu.memory_space<vmem>> -> memref<1x80x64xf32, #tpu.memory_space<vmem>>
        %dma_start3A_223 = tpu.memref_squeeze %dma_start3A_222 : memref<1x80x64xf32, #tpu.memory_space<vmem>> -> memref<80x64xf32, #tpu.memory_space<vmem>>
        %dma_start3A_224 = arith.constant 0 : i32
        %dma_start3A_225 = tpu.memref_slice %arg7[%add3A_217, %dma_start3A_224] : memref<125x80xi32, #tpu.memory_space<vmem>> -> memref<1x80xi32, #tpu.memory_space<vmem>>
        %dma_start3A_226 = tpu.memref_squeeze %dma_start3A_225 : memref<1x80xi32, #tpu.memory_space<vmem>> -> memref<80xi32, #tpu.memory_space<vmem>>
        %dma_start3A_227 = arith.constant 0 : i32
        %dma_start3A_228 = arith.constant 0 : i32
        %dma_start3A_229 = tpu.memref_slice %arg3[%dma_start3A_227, %dma_start3A_228] : memref<40000x64xf32, #tpu.memory_space<hbm>> -> memref<40000x64xf32, #tpu.memory_space<hbm>>
        %dma_start3A_230 = tpu.memref_slice %arg10[%dma_start3A_219] : memref<4x!tpu.dma_semaphore, #tpu.memory_space<semaphore_mem>> -> memref<1x!tpu.dma_semaphore, #tpu.memory_space<semaphore_mem>>
        %dma_start3A_231 = tpu.memref_squeeze %dma_start3A_230 : memref<1x!tpu.dma_semaphore, #tpu.memory_space<semaphore_mem>> -> memref<!tpu.dma_semaphore, #tpu.memory_space<semaphore_mem>>
        tpu.enqueue_indirect_dma source(%dma_start3A_229 : memref<40000x64xf32, #tpu.memory_space<hbm>>) target(%dma_start3A_223 : memref<80x64xf32, #tpu.memory_space<vmem>>) offsets(%dma_start3A_226 : memref<80xi32, #tpu.memory_space<vmem>>) semaphore(%dma_start3A_231 : memref<!tpu.dma_semaphore, #tpu.memory_space<semaphore_mem>>)
      } else {
      }
      %lt3A_159 = arith.constant 125 : i32
      %lt3A_160 = arith.cmpi slt, %add3A_139, %lt3A_159 : i32
      %convert_element_type3A_161 = arith.extui %lt3A_160 : i1 to i32
      %cond3A_162 = arith.constant 0 : i32
      %cond3A_163 = arith.cmpi ne, %convert_element_type3A_161, %cond3A_162 : i32
      scf.if %cond3A_163 {
        %dma_wait3A = arith.constant 1 : i32
        %dma_wait3A_216 = arith.constant 1 : i32
        %dma_wait3A_217 = arith.constant 0 : i32
        %dma_wait3A_218 = arith.constant 0 : i32
        %dma_wait3A_219 = tpu.memref_slice %arg8[%dma_wait3A, %dma_wait3A_217, %dma_wait3A_218] : memref<4x80x64xf32, #tpu.memory_space<vmem>> -> memref<1x80x64xf32, #tpu.memory_space<vmem>>
        %dma_wait3A_220 = tpu.memref_squeeze %dma_wait3A_219 : memref<1x80x64xf32, #tpu.memory_space<vmem>> -> memref<80x64xf32, #tpu.memory_space<vmem>>
        %dma_wait3A_221 = arith.constant 0 : i32
        %dma_wait3A_222 = tpu.memref_slice %arg7[%add3A_139, %dma_wait3A_221] : memref<125x80xi32, #tpu.memory_space<vmem>> -> memref<1x80xi32, #tpu.memory_space<vmem>>
        %dma_wait3A_223 = tpu.memref_squeeze %dma_wait3A_222 : memref<1x80xi32, #tpu.memory_space<vmem>> -> memref<80xi32, #tpu.memory_space<vmem>>
        %dma_wait3A_224 = arith.constant 0 : i32
        %dma_wait3A_225 = arith.constant 0 : i32
        %dma_wait3A_226 = tpu.memref_slice %arg3[%dma_wait3A_224, %dma_wait3A_225] : memref<40000x64xf32, #tpu.memory_space<hbm>> -> memref<40000x64xf32, #tpu.memory_space<hbm>>
        %dma_wait3A_227 = tpu.memref_slice %arg10[%dma_wait3A_216] : memref<4x!tpu.dma_semaphore, #tpu.memory_space<semaphore_mem>> -> memref<1x!tpu.dma_semaphore, #tpu.memory_space<semaphore_mem>>
        %dma_wait3A_228 = tpu.memref_squeeze %dma_wait3A_227 : memref<1x!tpu.dma_semaphore, #tpu.memory_space<semaphore_mem>> -> memref<!tpu.dma_semaphore, #tpu.memory_space<semaphore_mem>>
        tpu.wait_indirect_dma semaphore(%dma_wait3A_228 : memref<!tpu.dma_semaphore, #tpu.memory_space<semaphore_mem>>) src(%dma_wait3A_226 : memref<40000x64xf32, #tpu.memory_space<hbm>>) dst(%dma_wait3A_220 : memref<80x64xf32, #tpu.memory_space<vmem>>)
        %dma_start3A_229 = arith.constant 1 : i32
        %dma_start3A_230 = arith.constant 1 : i32
        %dma_start3A_231 = arith.constant 0 : i32
        %dma_start3A_232 = arith.constant 0 : i32
        %dma_start3A_233 = tpu.memref_slice %arg8[%dma_start3A_229, %dma_start3A_231, %dma_start3A_232] : memref<4x80x64xf32, #tpu.memory_space<vmem>> -> memref<1x80x64xf32, #tpu.memory_space<vmem>>
        %dma_start3A_234 = tpu.memref_squeeze %dma_start3A_233 : memref<1x80x64xf32, #tpu.memory_space<vmem>> -> memref<80x64xf32, #tpu.memory_space<vmem>>
        %dma_start3A_235 = arith.constant 0 : i32
        %dma_start3A_236 = tpu.memref_slice %arg6[%add3A_139, %dma_start3A_235] : memref<125x80xi32, #tpu.memory_space<vmem>> -> memref<1x80xi32, #tpu.memory_space<vmem>>
        %dma_start3A_237 = tpu.memref_squeeze %dma_start3A_236 : memref<1x80xi32, #tpu.memory_space<vmem>> -> memref<80xi32, #tpu.memory_space<vmem>>
        %dma_start3A_238 = arith.constant 0 : i32
        %dma_start3A_239 = arith.constant 0 : i32
        %dma_start3A_240 = tpu.memref_slice %arg9[%dma_start3A_238, %dma_start3A_239] : memref<10240x64xf32, #tpu.memory_space<vmem_shared>> -> memref<10240x64xf32, #tpu.memory_space<vmem_shared>>
        %dma_start3A_241 = tpu.memref_slice %arg11[%dma_start3A_230] : memref<4x!tpu.dma_semaphore, #tpu.memory_space<semaphore_mem>> -> memref<1x!tpu.dma_semaphore, #tpu.memory_space<semaphore_mem>>
        %dma_start3A_242 = tpu.memref_squeeze %dma_start3A_241 : memref<1x!tpu.dma_semaphore, #tpu.memory_space<semaphore_mem>> -> memref<!tpu.dma_semaphore, #tpu.memory_space<semaphore_mem>>
        tpu.enqueue_indirect_dma source(%dma_start3A_234 : memref<80x64xf32, #tpu.memory_space<vmem>>) target(%dma_start3A_240 : memref<10240x64xf32, #tpu.memory_space<vmem_shared>>) offsets(%dma_start3A_237 : memref<80xi32, #tpu.memory_space<vmem>>) semaphore(%dma_start3A_242 : memref<!tpu.dma_semaphore, #tpu.memory_space<semaphore_mem>>) {add = true}
      } else {
      }
      %add3A_164 = arith.constant 2 : i32
      %add3A_165 = arith.addi %add3A_118, %add3A_164 : i32
      %add3A_166 = arith.constant 2 : i32
      %add3A_167 = arith.addi %add3A_165, %add3A_166 : i32
      %sub3A_168 = arith.constant 4 : i32
      %sub3A_169 = arith.subi %add3A_167, %sub3A_168 : i32
      %ge3A_170 = arith.constant 0 : i32
      %ge3A_171 = arith.cmpi sge, %sub3A_169, %ge3A_170 : i32
      %le3A_172 = arith.constant 124 : i32
      %le3A_173 = arith.cmpi sle, %sub3A_169, %le3A_172 : i32
      %and3A_174 = arith.andi %ge3A_171, %le3A_173 : i1
      %convert_element_type3A_175 = arith.extui %and3A_174 : i1 to i32
      %cond3A_176 = arith.constant 0 : i32
      %cond3A_177 = arith.cmpi ne, %convert_element_type3A_175, %cond3A_176 : i32
      scf.if %cond3A_177 {
        %dma_wait3A = arith.constant 0 : i32
        %dma_wait3A_216 = arith.constant 0 : i32
        %dma_wait3A_217 = arith.constant 0 : i32
        %dma_wait3A_218 = arith.constant 0 : i32
        %dma_wait3A_219 = tpu.memref_slice %arg8[%dma_wait3A, %dma_wait3A_217, %dma_wait3A_218] : memref<4x80x64xf32, #tpu.memory_space<vmem>> -> memref<1x80x64xf32, #tpu.memory_space<vmem>>
        %dma_wait3A_220 = tpu.memref_squeeze %dma_wait3A_219 : memref<1x80x64xf32, #tpu.memory_space<vmem>> -> memref<80x64xf32, #tpu.memory_space<vmem>>
        %dma_wait3A_221 = arith.constant 0 : i32
        %dma_wait3A_222 = tpu.memref_slice %arg6[%sub3A_169, %dma_wait3A_221] : memref<125x80xi32, #tpu.memory_space<vmem>> -> memref<1x80xi32, #tpu.memory_space<vmem>>
        %dma_wait3A_223 = tpu.memref_squeeze %dma_wait3A_222 : memref<1x80xi32, #tpu.memory_space<vmem>> -> memref<80xi32, #tpu.memory_space<vmem>>
        %dma_wait3A_224 = arith.constant 0 : i32
        %dma_wait3A_225 = arith.constant 0 : i32
        %dma_wait3A_226 = tpu.memref_slice %arg9[%dma_wait3A_224, %dma_wait3A_225] : memref<10240x64xf32, #tpu.memory_space<vmem_shared>> -> memref<10240x64xf32, #tpu.memory_space<vmem_shared>>
        %dma_wait3A_227 = tpu.memref_slice %arg11[%dma_wait3A_216] : memref<4x!tpu.dma_semaphore, #tpu.memory_space<semaphore_mem>> -> memref<1x!tpu.dma_semaphore, #tpu.memory_space<semaphore_mem>>
        %dma_wait3A_228 = tpu.memref_squeeze %dma_wait3A_227 : memref<1x!tpu.dma_semaphore, #tpu.memory_space<semaphore_mem>> -> memref<!tpu.dma_semaphore, #tpu.memory_space<semaphore_mem>>
        tpu.wait_indirect_dma semaphore(%dma_wait3A_228 : memref<!tpu.dma_semaphore, #tpu.memory_space<semaphore_mem>>) src(%dma_wait3A_220 : memref<80x64xf32, #tpu.memory_space<vmem>>) dst(%dma_wait3A_226 : memref<10240x64xf32, #tpu.memory_space<vmem_shared>>)
      } else {
      }
      %add3A_178 = arith.constant 2 : i32
      %add3A_179 = arith.addi %add3A_165, %add3A_178 : i32
      %lt3A_180 = arith.constant 125 : i32
      %lt3A_181 = arith.cmpi slt, %add3A_179, %lt3A_180 : i32
      %convert_element_type3A_182 = arith.extui %lt3A_181 : i1 to i32
      %cond3A_183 = arith.constant 0 : i32
      %cond3A_184 = arith.cmpi ne, %convert_element_type3A_182, %cond3A_183 : i32
      scf.if %cond3A_184 {
        %add3A_216 = arith.constant 2 : i32
        %add3A_217 = arith.addi %add3A_165, %add3A_216 : i32
        %dma_start3A_218 = arith.constant 0 : i32
        %dma_start3A_219 = arith.constant 0 : i32
        %dma_start3A_220 = arith.constant 0 : i32
        %dma_start3A_221 = arith.constant 0 : i32
        %dma_start3A_222 = tpu.memref_slice %arg8[%dma_start3A_218, %dma_start3A_220, %dma_start3A_221] : memref<4x80x64xf32, #tpu.memory_space<vmem>> -> memref<1x80x64xf32, #tpu.memory_space<vmem>>
        %dma_start3A_223 = tpu.memref_squeeze %dma_start3A_222 : memref<1x80x64xf32, #tpu.memory_space<vmem>> -> memref<80x64xf32, #tpu.memory_space<vmem>>
        %dma_start3A_224 = arith.constant 0 : i32
        %dma_start3A_225 = tpu.memref_slice %arg7[%add3A_217, %dma_start3A_224] : memref<125x80xi32, #tpu.memory_space<vmem>> -> memref<1x80xi32, #tpu.memory_space<vmem>>
        %dma_start3A_226 = tpu.memref_squeeze %dma_start3A_225 : memref<1x80xi32, #tpu.memory_space<vmem>> -> memref<80xi32, #tpu.memory_space<vmem>>
        %dma_start3A_227 = arith.constant 0 : i32
        %dma_start3A_228 = arith.constant 0 : i32
        %dma_start3A_229 = tpu.memref_slice %arg3[%dma_start3A_227, %dma_start3A_228] : memref<40000x64xf32, #tpu.memory_space<hbm>> -> memref<40000x64xf32, #tpu.memory_space<hbm>>
        %dma_start3A_230 = tpu.memref_slice %arg10[%dma_start3A_219] : memref<4x!tpu.dma_semaphore, #tpu.memory_space<semaphore_mem>> -> memref<1x!tpu.dma_semaphore, #tpu.memory_space<semaphore_mem>>
        %dma_start3A_231 = tpu.memref_squeeze %dma_start3A_230 : memref<1x!tpu.dma_semaphore, #tpu.memory_space<semaphore_mem>> -> memref<!tpu.dma_semaphore, #tpu.memory_space<semaphore_mem>>
        tpu.enqueue_indirect_dma source(%dma_start3A_229 : memref<40000x64xf32, #tpu.memory_space<hbm>>) target(%dma_start3A_223 : memref<80x64xf32, #tpu.memory_space<vmem>>) offsets(%dma_start3A_226 : memref<80xi32, #tpu.memory_space<vmem>>) semaphore(%dma_start3A_231 : memref<!tpu.dma_semaphore, #tpu.memory_space<semaphore_mem>>)
      } else {
      }
      %lt3A_185 = arith.constant 125 : i32
      %lt3A_186 = arith.cmpi slt, %add3A_165, %lt3A_185 : i32
      %convert_element_type3A_187 = arith.extui %lt3A_186 : i1 to i32
      %cond3A_188 = arith.constant 0 : i32
      %cond3A_189 = arith.cmpi ne, %convert_element_type3A_187, %cond3A_188 : i32
      scf.if %cond3A_189 {
        %dma_wait3A = arith.constant 2 : i32
        %dma_wait3A_216 = arith.constant 2 : i32
        %dma_wait3A_217 = arith.constant 0 : i32
        %dma_wait3A_218 = arith.constant 0 : i32
        %dma_wait3A_219 = tpu.memref_slice %arg8[%dma_wait3A, %dma_wait3A_217, %dma_wait3A_218] : memref<4x80x64xf32, #tpu.memory_space<vmem>> -> memref<1x80x64xf32, #tpu.memory_space<vmem>>
        %dma_wait3A_220 = tpu.memref_squeeze %dma_wait3A_219 : memref<1x80x64xf32, #tpu.memory_space<vmem>> -> memref<80x64xf32, #tpu.memory_space<vmem>>
        %dma_wait3A_221 = arith.constant 0 : i32
        %dma_wait3A_222 = tpu.memref_slice %arg7[%add3A_165, %dma_wait3A_221] : memref<125x80xi32, #tpu.memory_space<vmem>> -> memref<1x80xi32, #tpu.memory_space<vmem>>
        %dma_wait3A_223 = tpu.memref_squeeze %dma_wait3A_222 : memref<1x80xi32, #tpu.memory_space<vmem>> -> memref<80xi32, #tpu.memory_space<vmem>>
        %dma_wait3A_224 = arith.constant 0 : i32
        %dma_wait3A_225 = arith.constant 0 : i32
        %dma_wait3A_226 = tpu.memref_slice %arg3[%dma_wait3A_224, %dma_wait3A_225] : memref<40000x64xf32, #tpu.memory_space<hbm>> -> memref<40000x64xf32, #tpu.memory_space<hbm>>
        %dma_wait3A_227 = tpu.memref_slice %arg10[%dma_wait3A_216] : memref<4x!tpu.dma_semaphore, #tpu.memory_space<semaphore_mem>> -> memref<1x!tpu.dma_semaphore, #tpu.memory_space<semaphore_mem>>
        %dma_wait3A_228 = tpu.memref_squeeze %dma_wait3A_227 : memref<1x!tpu.dma_semaphore, #tpu.memory_space<semaphore_mem>> -> memref<!tpu.dma_semaphore, #tpu.memory_space<semaphore_mem>>
        tpu.wait_indirect_dma semaphore(%dma_wait3A_228 : memref<!tpu.dma_semaphore, #tpu.memory_space<semaphore_mem>>) src(%dma_wait3A_226 : memref<40000x64xf32, #tpu.memory_space<hbm>>) dst(%dma_wait3A_220 : memref<80x64xf32, #tpu.memory_space<vmem>>)
        %dma_start3A_229 = arith.constant 2 : i32
        %dma_start3A_230 = arith.constant 2 : i32
        %dma_start3A_231 = arith.constant 0 : i32
        %dma_start3A_232 = arith.constant 0 : i32
        %dma_start3A_233 = tpu.memref_slice %arg8[%dma_start3A_229, %dma_start3A_231, %dma_start3A_232] : memref<4x80x64xf32, #tpu.memory_space<vmem>> -> memref<1x80x64xf32, #tpu.memory_space<vmem>>
        %dma_start3A_234 = tpu.memref_squeeze %dma_start3A_233 : memref<1x80x64xf32, #tpu.memory_space<vmem>> -> memref<80x64xf32, #tpu.memory_space<vmem>>
        %dma_start3A_235 = arith.constant 0 : i32
        %dma_start3A_236 = tpu.memref_slice %arg6[%add3A_165, %dma_start3A_235] : memref<125x80xi32, #tpu.memory_space<vmem>> -> memref<1x80xi32, #tpu.memory_space<vmem>>
        %dma_start3A_237 = tpu.memref_squeeze %dma_start3A_236 : memref<1x80xi32, #tpu.memory_space<vmem>> -> memref<80xi32, #tpu.memory_space<vmem>>
        %dma_start3A_238 = arith.constant 0 : i32
        %dma_start3A_239 = arith.constant 0 : i32
        %dma_start3A_240 = tpu.memref_slice %arg9[%dma_start3A_238, %dma_start3A_239] : memref<10240x64xf32, #tpu.memory_space<vmem_shared>> -> memref<10240x64xf32, #tpu.memory_space<vmem_shared>>
        %dma_start3A_241 = tpu.memref_slice %arg11[%dma_start3A_230] : memref<4x!tpu.dma_semaphore, #tpu.memory_space<semaphore_mem>> -> memref<1x!tpu.dma_semaphore, #tpu.memory_space<semaphore_mem>>
        %dma_start3A_242 = tpu.memref_squeeze %dma_start3A_241 : memref<1x!tpu.dma_semaphore, #tpu.memory_space<semaphore_mem>> -> memref<!tpu.dma_semaphore, #tpu.memory_space<semaphore_mem>>
        tpu.enqueue_indirect_dma source(%dma_start3A_234 : memref<80x64xf32, #tpu.memory_space<vmem>>) target(%dma_start3A_240 : memref<10240x64xf32, #tpu.memory_space<vmem_shared>>) offsets(%dma_start3A_237 : memref<80xi32, #tpu.memory_space<vmem>>) semaphore(%dma_start3A_242 : memref<!tpu.dma_semaphore, #tpu.memory_space<semaphore_mem>>) {add = true}
      } else {
      }
      %add3A_190 = arith.constant 3 : i32
      %add3A_191 = arith.addi %add3A_118, %add3A_190 : i32
      %add3A_192 = arith.constant 2 : i32
      %add3A_193 = arith.addi %add3A_191, %add3A_192 : i32
      %sub3A_194 = arith.constant 4 : i32
      %sub3A_195 = arith.subi %add3A_193, %sub3A_194 : i32
      %ge3A_196 = arith.constant 0 : i32
      %ge3A_197 = arith.cmpi sge, %sub3A_195, %ge3A_196 : i32
      %le3A_198 = arith.constant 124 : i32
      %le3A_199 = arith.cmpi sle, %sub3A_195, %le3A_198 : i32
      %and3A_200 = arith.andi %ge3A_197, %le3A_199 : i1
      %convert_element_type3A_201 = arith.extui %and3A_200 : i1 to i32
      %cond3A_202 = arith.constant 0 : i32
      %cond3A_203 = arith.cmpi ne, %convert_element_type3A_201, %cond3A_202 : i32
      scf.if %cond3A_203 {
        %dma_wait3A = arith.constant 1 : i32
        %dma_wait3A_216 = arith.constant 1 : i32
        %dma_wait3A_217 = arith.constant 0 : i32
        %dma_wait3A_218 = arith.constant 0 : i32
        %dma_wait3A_219 = tpu.memref_slice %arg8[%dma_wait3A, %dma_wait3A_217, %dma_wait3A_218] : memref<4x80x64xf32, #tpu.memory_space<vmem>> -> memref<1x80x64xf32, #tpu.memory_space<vmem>>
        %dma_wait3A_220 = tpu.memref_squeeze %dma_wait3A_219 : memref<1x80x64xf32, #tpu.memory_space<vmem>> -> memref<80x64xf32, #tpu.memory_space<vmem>>
        %dma_wait3A_221 = arith.constant 0 : i32
        %dma_wait3A_222 = tpu.memref_slice %arg6[%sub3A_195, %dma_wait3A_221] : memref<125x80xi32, #tpu.memory_space<vmem>> -> memref<1x80xi32, #tpu.memory_space<vmem>>
        %dma_wait3A_223 = tpu.memref_squeeze %dma_wait3A_222 : memref<1x80xi32, #tpu.memory_space<vmem>> -> memref<80xi32, #tpu.memory_space<vmem>>
        %dma_wait3A_224 = arith.constant 0 : i32
        %dma_wait3A_225 = arith.constant 0 : i32
        %dma_wait3A_226 = tpu.memref_slice %arg9[%dma_wait3A_224, %dma_wait3A_225] : memref<10240x64xf32, #tpu.memory_space<vmem_shared>> -> memref<10240x64xf32, #tpu.memory_space<vmem_shared>>
        %dma_wait3A_227 = tpu.memref_slice %arg11[%dma_wait3A_216] : memref<4x!tpu.dma_semaphore, #tpu.memory_space<semaphore_mem>> -> memref<1x!tpu.dma_semaphore, #tpu.memory_space<semaphore_mem>>
        %dma_wait3A_228 = tpu.memref_squeeze %dma_wait3A_227 : memref<1x!tpu.dma_semaphore, #tpu.memory_space<semaphore_mem>> -> memref<!tpu.dma_semaphore, #tpu.memory_space<semaphore_mem>>
        tpu.wait_indirect_dma semaphore(%dma_wait3A_228 : memref<!tpu.dma_semaphore, #tpu.memory_space<semaphore_mem>>) src(%dma_wait3A_220 : memref<80x64xf32, #tpu.memory_space<vmem>>) dst(%dma_wait3A_226 : memref<10240x64xf32, #tpu.memory_space<vmem_shared>>)
      } else {
      }
      %add3A_204 = arith.constant 2 : i32
      %add3A_205 = arith.addi %add3A_191, %add3A_204 : i32
      %lt3A_206 = arith.constant 125 : i32
      %lt3A_207 = arith.cmpi slt, %add3A_205, %lt3A_206 : i32
      %convert_element_type3A_208 = arith.extui %lt3A_207 : i1 to i32
      %cond3A_209 = arith.constant 0 : i32
      %cond3A_210 = arith.cmpi ne, %convert_element_type3A_208, %cond3A_209 : i32
      scf.if %cond3A_210 {
        %add3A_216 = arith.constant 2 : i32
        %add3A_217 = arith.addi %add3A_191, %add3A_216 : i32
        %dma_start3A_218 = arith.constant 1 : i32
        %dma_start3A_219 = arith.constant 1 : i32
        %dma_start3A_220 = arith.constant 0 : i32
        %dma_start3A_221 = arith.constant 0 : i32
        %dma_start3A_222 = tpu.memref_slice %arg8[%dma_start3A_218, %dma_start3A_220, %dma_start3A_221] : memref<4x80x64xf32, #tpu.memory_space<vmem>> -> memref<1x80x64xf32, #tpu.memory_space<vmem>>
        %dma_start3A_223 = tpu.memref_squeeze %dma_start3A_222 : memref<1x80x64xf32, #tpu.memory_space<vmem>> -> memref<80x64xf32, #tpu.memory_space<vmem>>
        %dma_start3A_224 = arith.constant 0 : i32
        %dma_start3A_225 = tpu.memref_slice %arg7[%add3A_217, %dma_start3A_224] : memref<125x80xi32, #tpu.memory_space<vmem>> -> memref<1x80xi32, #tpu.memory_space<vmem>>
        %dma_start3A_226 = tpu.memref_squeeze %dma_start3A_225 : memref<1x80xi32, #tpu.memory_space<vmem>> -> memref<80xi32, #tpu.memory_space<vmem>>
        %dma_start3A_227 = arith.constant 0 : i32
        %dma_start3A_228 = arith.constant 0 : i32
        %dma_start3A_229 = tpu.memref_slice %arg3[%dma_start3A_227, %dma_start3A_228] : memref<40000x64xf32, #tpu.memory_space<hbm>> -> memref<40000x64xf32, #tpu.memory_space<hbm>>
        %dma_start3A_230 = tpu.memref_slice %arg10[%dma_start3A_219] : memref<4x!tpu.dma_semaphore, #tpu.memory_space<semaphore_mem>> -> memref<1x!tpu.dma_semaphore, #tpu.memory_space<semaphore_mem>>
        %dma_start3A_231 = tpu.memref_squeeze %dma_start3A_230 : memref<1x!tpu.dma_semaphore, #tpu.memory_space<semaphore_mem>> -> memref<!tpu.dma_semaphore, #tpu.memory_space<semaphore_mem>>
        tpu.enqueue_indirect_dma source(%dma_start3A_229 : memref<40000x64xf32, #tpu.memory_space<hbm>>) target(%dma_start3A_223 : memref<80x64xf32, #tpu.memory_space<vmem>>) offsets(%dma_start3A_226 : memref<80xi32, #tpu.memory_space<vmem>>) semaphore(%dma_start3A_231 : memref<!tpu.dma_semaphore, #tpu.memory_space<semaphore_mem>>)
      } else {
      }
      %lt3A_211 = arith.constant 125 : i32
      %lt3A_212 = arith.cmpi slt, %add3A_191, %lt3A_211 : i32
      %convert_element_type3A_213 = arith.extui %lt3A_212 : i1 to i32
      %cond3A_214 = arith.constant 0 : i32
      %cond3A_215 = arith.cmpi ne, %convert_element_type3A_213, %cond3A_214 : i32
      scf.if %cond3A_215 {
        %dma_wait3A = arith.constant 3 : i32
        %dma_wait3A_216 = arith.constant 3 : i32
        %dma_wait3A_217 = arith.constant 0 : i32
        %dma_wait3A_218 = arith.constant 0 : i32
        %dma_wait3A_219 = tpu.memref_slice %arg8[%dma_wait3A, %dma_wait3A_217, %dma_wait3A_218] : memref<4x80x64xf32, #tpu.memory_space<vmem>> -> memref<1x80x64xf32, #tpu.memory_space<vmem>>
        %dma_wait3A_220 = tpu.memref_squeeze %dma_wait3A_219 : memref<1x80x64xf32, #tpu.memory_space<vmem>> -> memref<80x64xf32, #tpu.memory_space<vmem>>
        %dma_wait3A_221 = arith.constant 0 : i32
        %dma_wait3A_222 = tpu.memref_slice %arg7[%add3A_191, %dma_wait3A_221] : memref<125x80xi32, #tpu.memory_space<vmem>> -> memref<1x80xi32, #tpu.memory_space<vmem>>
        %dma_wait3A_223 = tpu.memref_squeeze %dma_wait3A_222 : memref<1x80xi32, #tpu.memory_space<vmem>> -> memref<80xi32, #tpu.memory_space<vmem>>
        %dma_wait3A_224 = arith.constant 0 : i32
        %dma_wait3A_225 = arith.constant 0 : i32
        %dma_wait3A_226 = tpu.memref_slice %arg3[%dma_wait3A_224, %dma_wait3A_225] : memref<40000x64xf32, #tpu.memory_space<hbm>> -> memref<40000x64xf32, #tpu.memory_space<hbm>>
        %dma_wait3A_227 = tpu.memref_slice %arg10[%dma_wait3A_216] : memref<4x!tpu.dma_semaphore, #tpu.memory_space<semaphore_mem>> -> memref<1x!tpu.dma_semaphore, #tpu.memory_space<semaphore_mem>>
        %dma_wait3A_228 = tpu.memref_squeeze %dma_wait3A_227 : memref<1x!tpu.dma_semaphore, #tpu.memory_space<semaphore_mem>> -> memref<!tpu.dma_semaphore, #tpu.memory_space<semaphore_mem>>
        tpu.wait_indirect_dma semaphore(%dma_wait3A_228 : memref<!tpu.dma_semaphore, #tpu.memory_space<semaphore_mem>>) src(%dma_wait3A_226 : memref<40000x64xf32, #tpu.memory_space<hbm>>) dst(%dma_wait3A_220 : memref<80x64xf32, #tpu.memory_space<vmem>>)
        %dma_start3A_229 = arith.constant 3 : i32
        %dma_start3A_230 = arith.constant 3 : i32
        %dma_start3A_231 = arith.constant 0 : i32
        %dma_start3A_232 = arith.constant 0 : i32
        %dma_start3A_233 = tpu.memref_slice %arg8[%dma_start3A_229, %dma_start3A_231, %dma_start3A_232] : memref<4x80x64xf32, #tpu.memory_space<vmem>> -> memref<1x80x64xf32, #tpu.memory_space<vmem>>
        %dma_start3A_234 = tpu.memref_squeeze %dma_start3A_233 : memref<1x80x64xf32, #tpu.memory_space<vmem>> -> memref<80x64xf32, #tpu.memory_space<vmem>>
        %dma_start3A_235 = arith.constant 0 : i32
        %dma_start3A_236 = tpu.memref_slice %arg6[%add3A_191, %dma_start3A_235] : memref<125x80xi32, #tpu.memory_space<vmem>> -> memref<1x80xi32, #tpu.memory_space<vmem>>
        %dma_start3A_237 = tpu.memref_squeeze %dma_start3A_236 : memref<1x80xi32, #tpu.memory_space<vmem>> -> memref<80xi32, #tpu.memory_space<vmem>>
        %dma_start3A_238 = arith.constant 0 : i32
        %dma_start3A_239 = arith.constant 0 : i32
        %dma_start3A_240 = tpu.memref_slice %arg9[%dma_start3A_238, %dma_start3A_239] : memref<10240x64xf32, #tpu.memory_space<vmem_shared>> -> memref<10240x64xf32, #tpu.memory_space<vmem_shared>>
        %dma_start3A_241 = tpu.memref_slice %arg11[%dma_start3A_230] : memref<4x!tpu.dma_semaphore, #tpu.memory_space<semaphore_mem>> -> memref<1x!tpu.dma_semaphore, #tpu.memory_space<semaphore_mem>>
        %dma_start3A_242 = tpu.memref_squeeze %dma_start3A_241 : memref<1x!tpu.dma_semaphore, #tpu.memory_space<semaphore_mem>> -> memref<!tpu.dma_semaphore, #tpu.memory_space<semaphore_mem>>
        tpu.enqueue_indirect_dma source(%dma_start3A_234 : memref<80x64xf32, #tpu.memory_space<vmem>>) target(%dma_start3A_240 : memref<10240x64xf32, #tpu.memory_space<vmem_shared>>) offsets(%dma_start3A_237 : memref<80xi32, #tpu.memory_space<vmem>>) semaphore(%dma_start3A_242 : memref<!tpu.dma_semaphore, #tpu.memory_space<semaphore_mem>>) {add = true}
      } else {
      }
    }
    %scan3A_105 = arith.constant 32 : i32
    %barrier3A_106 = arith.constant 0 : index
    tpu.barrier barrier_id(%barrier3A_106)
    %mul3A_107 = arith.constant 640 : i32
    %mul3A_108 = arith.muli %arg1, %mul3A_107 : i32
    %mul3A_109 = arith.constant 10240 : i32
    %mul3A_110 = arith.muli %arg0, %mul3A_109 : i32
    %mul3A_111 = arith.constant 640 : i32
    %mul3A_112 = arith.muli %arg1, %mul3A_111 : i32
    %add3A_113 = arith.addi %mul3A_110, %mul3A_112 : i32
    "tpu.region"() ({
      %run_scoped3A_114 = tpu.sem_alloc : memref<!tpu.dma_semaphore, #tpu.memory_space<semaphore_mem>>
      %dma_start3A_115 = arith.constant 64 : i32
      %dma_start3A_116 = tpu.memref_slice %arg5[%add3A_113, %dma_start3A_115] : memref<20480x128xf32, #tpu.memory_space<hbm>> -> memref<640x64xf32, #tpu.memory_space<hbm>>
      %dma_start3A_117 = arith.constant 0 : i32
      %dma_start3A_118 = tpu.memref_slice %arg9[%mul3A_108, %dma_start3A_117] : memref<10240x64xf32, #tpu.memory_space<vmem_shared>> -> memref<640x64xf32, #tpu.memory_space<vmem_shared>>
      tpu.enqueue_dma source(%dma_start3A_118 : memref<640x64xf32, #tpu.memory_space<vmem_shared>>) target(%dma_start3A_116 : memref<640x64xf32, #tpu.memory_space<hbm>>) target_semaphore(%run_scoped3A_114 : memref<!tpu.dma_semaphore, #tpu.memory_space<semaphore_mem>>)
      %dma_wait3A = arith.constant 64 : i32
      %dma_wait3A_119 = tpu.memref_slice %arg5[%add3A_113, %dma_wait3A] : memref<20480x128xf32, #tpu.memory_space<hbm>> -> memref<640x64xf32, #tpu.memory_space<hbm>>
      %dma_wait3A_120 = arith.constant 0 : i32
      %dma_wait3A_121 = tpu.memref_slice %arg9[%mul3A_108, %dma_wait3A_120] : memref<10240x64xf32, #tpu.memory_space<vmem_shared>> -> memref<640x64xf32, #tpu.memory_space<vmem_shared>>
      tpu.wait_dma2 semaphore(%run_scoped3A_114 : memref<!tpu.dma_semaphore, #tpu.memory_space<semaphore_mem>>) src(%dma_wait3A_121 : memref<640x64xf32, #tpu.memory_space<vmem_shared>>) dst(%dma_wait3A_119 : memref<640x64xf32, #tpu.memory_space<hbm>>)
      tpu.yield
    }) : () -> ()
    return
  }
}

module attributes {stable_mosaic.version = 14 : i64} {
  func.func @_pack_body(%arg0: i32, %arg1: memref<2000x256xf32, #tpu.memory_space<vmem>>, %arg2: memref<2000x128xf32, #tpu.memory_space<vmem>>, %arg3: memref<4000x128xf32, #tpu.memory_space<vmem>>) attributes {dimension_semantics = [#tpu.dimension_semantics<arbitrary>], iteration_bounds = array<i64: 5>, scalar_prefetch = 0 : i64, scratch_operands = 0 : i64, tpu.core_type = #tpu.core_type<tc>, window_params = [{transform_indices = @transform_0, window_bounds = array<i64: 2000, 256>}, {transform_indices = @transform_1, window_bounds = array<i64: 2000, 128>}, {transform_indices = @transform_2, window_bounds = array<i64: 4000, 128>}]} {
    %get3A = arith.constant 0 : index
    %get3A_0 = arith.constant 0 : index
    %get3A_1 = vector.load %arg1[%get3A, %get3A_0] : memref<2000x256xf32, #tpu.memory_space<vmem>>, vector<2000x256xf32>
    %get3A_2 = arith.constant 0 : index
    %get3A_3 = arith.constant 0 : index
    %get3A_4 = vector.load %arg2[%get3A_2, %get3A_3] : memref<2000x128xf32, #tpu.memory_space<vmem>>, vector<2000x1xf32>
    %get3A_5 = arith.constant 0 : index
    %get3A_6 = arith.constant 16 : index
    %get3A_7 = vector.load %arg2[%get3A_5, %get3A_6] : memref<2000x128xf32, #tpu.memory_space<vmem>>, vector<2000x1xf32>
    %add3A = arith.addf %get3A_4, %get3A_7 : vector<2000x1xf32>
    %gt3A = arith.constant 0.000000e+00 : f32
    %gt3A_8 = vector.broadcast %gt3A : f32 to vector<2000x1xf32>
    %gt3A_9 = arith.cmpf ogt, %add3A, %gt3A_8 : vector<2000x1xf32>
    %rsqrt3A = math.rsqrt %add3A : vector<2000x1xf32>
    %jit3A = arith.constant 0.000000e+00 : f32
    %broadcast_in_dim3A = vector.broadcast %jit3A : f32 to vector<2000x1xf32>
    %select_n3A = arith.select %gt3A_9, %rsqrt3A, %broadcast_in_dim3A : vector<2000x1xi1>, vector<2000x1xf32>
    %mul3A = vector.broadcast %select_n3A : vector<2000x1xf32> to vector<2000x256xf32>
    %mul3A_10 = arith.mulf %get3A_1, %mul3A : vector<2000x256xf32>
    %reshape3A = vector.shape_cast %mul3A_10 : vector<2000x256xf32> to vector<4000x128xf32>
    %swap3A = arith.constant 0 : index
    %swap3A_11 = arith.constant 0 : index
    %swap3A_12 = vector.load %arg3[%swap3A, %swap3A_11] : memref<4000x128xf32, #tpu.memory_space<vmem>>, vector<4000x128xf32>
    tpu.vector_store %arg3[%swap3A, %swap3A_11], %reshape3A {strides = array<i32>} : memref<4000x128xf32, #tpu.memory_space<vmem>>, vector<4000x128xf32>,
    return
  }
  func.func @transform_0(%arg0: i32) -> (i32, i32) {
    %c0_i32 = arith.constant 0 : i32
    %c0_i32_0 = arith.constant 0 : i32
    return %arg0, %c0_i32 : i32, i32
  }
  func.func @transform_1(%arg0: i32) -> (i32, i32) {
    %c0_i32 = arith.constant 0 : i32
    %c0_i32_0 = arith.constant 0 : i32
    return %arg0, %c0_i32 : i32, i32
  }
  func.func @transform_2(%arg0: i32) -> (i32, i32) {
    %c0_i32 = arith.constant 0 : i32
    %c0_i32_0 = arith.constant 0 : i32
    return %arg0, %c0_i32 : i32, i32
  }
}

module attributes {stable_mosaic.version = 14 : i64} {
  func.func @_matmul_body(%arg0: i32, %arg1: memref<2000x256xf32, #tpu.memory_space<vmem>>, %arg2: memref<256x256xf32, #tpu.memory_space<vmem>>, %arg3: memref<2000x256xf32, #tpu.memory_space<vmem>>) attributes {dimension_semantics = [#tpu.dimension_semantics<arbitrary>], iteration_bounds = array<i64: 5>, scalar_prefetch = 0 : i64, scratch_operands = 0 : i64, tpu.core_type = #tpu.core_type<tc>, window_params = [{transform_indices = @transform_0, window_bounds = array<i64: 2000, 256>}, {pipeline_mode = #tpu.pipeline_mode<synchronous>, transform_indices = @transform_1, window_bounds = array<i64: 256, 256>}, {transform_indices = @transform_2, window_bounds = array<i64: 2000, 256>}]} {
    %get3A = arith.constant 0 : index
    %get3A_0 = arith.constant 0 : index
    %get3A_1 = vector.load %arg1[%get3A, %get3A_0] : memref<2000x256xf32, #tpu.memory_space<vmem>>, vector<2000x256xf32>
    %get3A_2 = arith.constant 0 : index
    %get3A_3 = arith.constant 0 : index
    %get3A_4 = vector.load %arg2[%get3A_2, %get3A_3] : memref<256x256xf32, #tpu.memory_space<vmem>>, vector<256x256xf32>
    %dot_general3A = arith.constant dense<0.000000e+00> : vector<2000x256xf32>
    %dot_general3A_5 = tpu.matmul %get3A_1, %get3A_4, %dot_general3A {dimension_numbers = #tpu.dot_dimension_numbers<[1], [0], [0], [1], [0, 0, 1, 1], [], []>, transpose_lhs_hint = false} : vector<2000x256xf32>, vector<256x256xf32>, vector<2000x256xf32> -> vector<2000x256xf32>
    %swap3A = arith.constant 0 : index
    %swap3A_6 = arith.constant 0 : index
    %swap3A_7 = vector.load %arg3[%swap3A, %swap3A_6] : memref<2000x256xf32, #tpu.memory_space<vmem>>, vector<2000x256xf32>
    tpu.vector_store %arg3[%swap3A, %swap3A_6], %dot_general3A_5 {strides = array<i32>} : memref<2000x256xf32, #tpu.memory_space<vmem>>, vector<2000x256xf32>,
    return
  }
  func.func @transform_0(%arg0: i32) -> (i32, i32) {
    %c0_i32 = arith.constant 0 : i32
    %c0_i32_0 = arith.constant 0 : i32
    return %arg0, %c0_i32 : i32, i32
  }
  func.func @transform_1(%arg0: i32) -> (i32, i32) {
    %c0_i32 = arith.constant 0 : i32
    %c0_i32_0 = arith.constant 0 : i32
    %c0_i32_1 = arith.constant 0 : i32
    return %c0_i32, %c0_i32_0 : i32, i32
  }
  func.func @transform_2(%arg0: i32) -> (i32, i32) {
    %c0_i32 = arith.constant 0 : i32
    %c0_i32_0 = arith.constant 0 : i32
    return %arg0, %c0_i32 : i32, i32
  }
}

module attributes {stable_mosaic.version = 14 : i64} {
  func.func @_final_body(%arg0: i32, %arg1: memref<2x2000x128xf32, #tpu.memory_space<vmem>>, %arg2: memref<2000x128xf32, #tpu.memory_space<vmem>>, %arg3: memref<1x256xf32, #tpu.memory_space<vmem>>, %arg4: memref<2000x256xf32, #tpu.memory_space<vmem>>) attributes {dimension_semantics = [#tpu.dimension_semantics<arbitrary>], iteration_bounds = array<i64: 5>, scalar_prefetch = 0 : i64, scratch_operands = 0 : i64, tpu.core_type = #tpu.core_type<tc>, window_params = [{transform_indices = @transform_0, window_bounds = array<i64: 2, 2000, 128>}, {transform_indices = @transform_1, window_bounds = array<i64: 2000, 128>}, {pipeline_mode = #tpu.pipeline_mode<synchronous>, transform_indices = @transform_2, window_bounds = array<i64: 1, 256>}, {transform_indices = @transform_3, window_bounds = array<i64: 2000, 256>}]} {
    %get3A = arith.constant 0 : index
    %get3A_0 = arith.constant 0 : index
    %get3A_1 = vector.load %arg2[%get3A, %get3A_0] : memref<2000x128xf32, #tpu.memory_space<vmem>>, vector<2000x1xf32>
    %get3A_2 = arith.constant 0 : index
    %get3A_3 = arith.constant 16 : index
    %get3A_4 = vector.load %arg2[%get3A_2, %get3A_3] : memref<2000x128xf32, #tpu.memory_space<vmem>>, vector<2000x1xf32>
    %add3A = arith.addf %get3A_1, %get3A_4 : vector<2000x1xf32>
    %gt3A = arith.constant 0.000000e+00 : f32
    %gt3A_5 = vector.broadcast %gt3A : f32 to vector<2000x1xf32>
    %gt3A_6 = arith.cmpf ogt, %add3A, %gt3A_5 : vector<2000x1xf32>
    %rsqrt3A = math.rsqrt %add3A : vector<2000x1xf32>
    %jit3A = arith.constant 0.000000e+00 : f32
    %broadcast_in_dim3A = vector.broadcast %jit3A : f32 to vector<2000x1xf32>
    %select_n3A = arith.select %gt3A_6, %rsqrt3A, %broadcast_in_dim3A : vector<2000x1xi1>, vector<2000x1xf32>
    %get3A_7 = arith.constant 0 : index
    %get3A_8 = arith.constant 0 : index
    %get3A_9 = arith.constant 0 : index
    %get3A_10 = vector.load %arg1[%get3A_7, %get3A_8, %get3A_9] : memref<2x2000x128xf32, #tpu.memory_space<vmem>>, vector<1x2000x128xf32>
    %get3A_11 = vector.shape_cast %get3A_10 : vector<1x2000x128xf32> to vector<2000x128xf32>
    %get3A_12 = arith.constant 1 : index
    %get3A_13 = arith.constant 0 : index
    %get3A_14 = arith.constant 0 : index
    %get3A_15 = vector.load %arg1[%get3A_12, %get3A_13, %get3A_14] : memref<2x2000x128xf32, #tpu.memory_space<vmem>>, vector<1x2000x128xf32>
    %get3A_16 = vector.shape_cast %get3A_15 : vector<1x2000x128xf32> to vector<2000x128xf32>
    %concatenate3A = tpu.concatenate %get3A_11, %get3A_16 in 1 : vector<2000x128xf32>, vector<2000x128xf32> -> vector<2000x256xf32>
    %mul3A = vector.broadcast %select_n3A : vector<2000x1xf32> to vector<2000x256xf32>
    %mul3A_17 = arith.mulf %concatenate3A, %mul3A : vector<2000x256xf32>
    %get3A_18 = arith.constant 0 : index
    %get3A_19 = arith.constant 0 : index
    %get3A_20 = vector.load %arg3[%get3A_18, %get3A_19] : memref<1x256xf32, #tpu.memory_space<vmem>>, vector<1x256xf32>
    %add3A_21 = vector.broadcast %get3A_20 : vector<1x256xf32> to vector<2000x256xf32>
    %add3A_22 = arith.addf %mul3A_17, %add3A_21 : vector<2000x256xf32>
    %max3A = arith.constant 0.000000e+00 : f32
    %max3A_23 = vector.broadcast %max3A : f32 to vector<2000x256xf32>
    %max3A_24 = arith.maximumf %add3A_22, %max3A_23 : vector<2000x256xf32>
    %swap3A = arith.constant 0 : index
    %swap3A_25 = arith.constant 0 : index
    %swap3A_26 = vector.load %arg4[%swap3A, %swap3A_25] : memref<2000x256xf32, #tpu.memory_space<vmem>>, vector<2000x256xf32>
    tpu.vector_store %arg4[%swap3A, %swap3A_25], %max3A_24 {strides = array<i32>} : memref<2000x256xf32, #tpu.memory_space<vmem>>, vector<2000x256xf32>,
    return
  }
  func.func @transform_0(%arg0: i32) -> (i32, i32, i32) {
    %c0_i32 = arith.constant 0 : i32
    %c0_i32_0 = arith.constant 0 : i32
    %c0_i32_1 = arith.constant 0 : i32
    return %c0_i32, %arg0, %c0_i32_0 : i32, i32, i32
  }
  func.func @transform_1(%arg0: i32) -> (i32, i32) {
    %c0_i32 = arith.constant 0 : i32
    %c0_i32_0 = arith.constant 0 : i32
    return %arg0, %c0_i32 : i32, i32
  }
  func.func @transform_2(%arg0: i32) -> (i32, i32) {
    %c0_i32 = arith.constant 0 : i32
    %c0_i32_0 = arith.constant 0 : i32
    %c0_i32_1 = arith.constant 0 : i32
    return %c0_i32, %c0_i32_0 : i32, i32
  }
  func.func @transform_3(%arg0: i32) -> (i32, i32) {
    %c0_i32 = arith.constant 0 : i32
    %c0_i32_0 = arith.constant 0 : i32
    return %arg0, %c0_i32 : i32, i32
  }
}

</mosaic_0001>

<sc_bundles>
// kernel: kernel.10.cloned.1.call-start
scs
__scs_entry_jumppad:
0x0: {  	(pc) =	sbr.rel $0x88, $3  }
0x1: {  	(tag) =	ssettag $0x0;
	lr =	simm.s32 $0x1  }
0x2: {  	[smem:$0x3F9D] =	sst lr;
	_ =	strace $0xD0000000  }
0x3: {  	_ = 	snop  }
0x4: {  	_ = 	snop  }
0x5: {  	_ = 	snop  }
0x6: {  	_ = 	snop  }
0x7: {  	_ = 	snop  }
__scs_overlays_trampoline_lowered:
0x8: {  	[smem:$0x3FAC] =	sst s0  }
0x9: {  	[smem:$0x3FAD] =	sst s1  }
0xa: {  	[smem:$0x3FAE] =	sst s2  }
0xb: {  	[smem:$0x3FAF] =	sst s3  }
0xc: {  	[smem:$0x3FB0] =	sst s4  }
0xd: {  	[smem:$0x3FB1] =	sst s5  }
0xe: {  	[smem:$0x3FB2] =	sst s6  }
0xf: {  	[smem:$0x3FB3] =	sst s7  }
0x10: {  	[smem:$0x3FB4] =	sst s8  }
0x11: {  	[smem:$0x3FB5] =	sst s9;
	s0 =	simm.s32 @!p0 $0x0  }
0x12: {  	s1 =	sld [smem:$0x3F9B];
	s0 =	simm.s32 @p0 $0x1  }
0x13: {  	[smem:$0x3FB6] =	sst s0;
	s0 =	simm.s32 @!p1 $0x0  }
0x14: {  	s2 =	sld [smem:$0x3F9A];
	s0 =	simm.s32 @p1 $0x1  }
0x15: {  	[smem:$0x3FB7] =	sst s0;
	s0 =	simm.s32 @!p2 $0x0  }
0x16: {  	s3 =	sld [smem:$0x3FDB];
	s0 =	simm.s32 @p2 $0x1  }
0x17: {  	s4 =	simm.s32 $0x1BF5;
	[smem:$0x3FB9] =	sst s0  }
0x18: {  	s0 =	sld [smem:$0x3F9C];
	_ =	swait.ge [sflag:s4], $0x0  }
0x19: {  	s7 =	sld [smem:$0x3F9D]  }
0x1a: {  	s8 =	sadd.s32 $0xFFFFE003, lr  }
0x1b: {  	s9 =	sadd.s32 $0xFFFFFEF7, lr;
	s5 =	simm.s32 $0xFFFFFFFF;
	p2 =	slt.u32 s8, $0xFFFFF086  }
0x1c: {  	p1 =	slt.u32 s9, $0xF7A;
	s5 =	simm.s32 @!p2 $0x0  }
0x1d: {  	s5 =	simm.s32 @p1 $0x1;
	p0 =	seq.s32 s7, s2  }
0x1e: {  	s7 =	smul.u32 @!p0 $0xF7A, s2;
	p2 =	seq.s32 @!p0 s5, $0x0  }
0x1f: {  	s9 =	smul.u32 $0xF7A, s1;
	s8 =	simm.s32 @!p0 $0x1BF5;
	p2 =	por !p2, p0  }
0x20: {  	[sflag:s8] =	ssyncset.s32 @!p0 $0xFFFFF086;
	s6 =	sadd.s32 @!p0 s3, s7;
	s7 =	simm.s32 @!p0 $0x108  }
0x21: {  	s3 =	sadd.s32 s3, s9;
	s6 =	sadd.s32 @!p0 $0x88, s6;
	s7 =	simm.s32 @p2 $0x1082  }
0x22: {  	[simem:s7], [sflag:s8] =	dma.local @!p0 [hbm:s6], $0xF7A  }
0x23: {  	s9 =	sor.u32 $0xD0000000, s2;
	s6 =	simm.s32 $0x108;
	_ =	swait.ge @!p0 [sflag:s8], $0x0  }
0x24: {  	s3 =	sadd.s32 $0x88, s3;
	s6 =	simm.s32 @!p1 $0x1082;
	[sflag:s4] =	ssyncset.s32 $0xFFFFF086  }
0x25: {  	[simem:s6], [sflag:s4] =	dma.local [hbm:s3], $0xF7A  }
0x26: {  	[smem:$0x3F9D] =	sst s1;
	(tag) =	ssettag s2;
	_ =	strace s9  }
0x27: {  	s1 =	sld [smem:$0x3FAD]  }
0x28: {  	s2 =	sld [smem:$0x3FAE]  }
0x29: {  	s4 =	sld [smem:$0x3FB0]  }
0x2a: {  	p0 =	seq.s32 s5, $0x0;
	s5 =	sld [smem:$0x3FB1]  }
0x2b: {  	s6 =	sld [smem:$0x3FB2]  }
0x2c: {  	s7 =	sld [smem:$0x3FB3]  }
0x2d: {  	s3 =	simm.s32 $0x108;
	s8 =	sld [smem:$0x3FB4]  }
0x2e: {  	s3 =	simm.s32 @!p0 $0x1082;
	s9 =	sld [smem:$0x3FB5]  }
0x2f: {  	lr =	sadd.s32 s0, s3;
	s0 =	sld [smem:$0x3FAC]  }
0x30: {  	s3 =	sld [smem:$0x3FAF]  }
0x31: {  	[smem:$0x3FB8] =	sst s10  }
0x32: {  	s10 =	sld [smem:$0x3FB6];
	_ =	sdelay $0x3  }
0x33: {  	p0 =	seq.s32 s10, $0x1;
	s10 =	sld [smem:$0x3FB8];
	_ =	sdelay $0x3  }
0x34: {  	[smem:$0x3FB8] =	sst s10  }
0x35: {  	s10 =	sld [smem:$0x3FB7];
	_ =	sdelay $0x3  }
0x36: {  	p1 =	seq.s32 s10, $0x1;
	s10 =	sld [smem:$0x3FB8];
	_ =	sdelay $0x3  }
0x37: {  	[smem:$0x3FB8] =	sst s10  }
0x38: {  	s10 =	sld [smem:$0x3FB9]  }
0x39: {  	_ = 	snop;
	(pc) =	sbr.ind lr, $3  }
0x3a: {  	_ = 	snop  }
0x3b: {  	_ = 	snop  }
0x3c: {  	p2 =	seq.s32 s10, $0x1;
	s10 =	sld [smem:$0x3FB8]  }
0x3d: {  	_ =	shalt  }
0x3e: {  	_ =	shalt  }
0x3f: {  	_ =	shalt  }
0x40: {  	_ =	shalt  }
0x41: {  	_ =	shalt  }
0x42: {  	_ =	shalt  }
0x43: {  	_ =	shalt  }
0x44: {  	_ =	shalt  }
0x45: {  	_ =	shalt  }
0x46: {  	_ =	shalt  }
0x47: {  	_ =	shalt  }
0x48: {  	_ =	shalt  }
0x49: {  	_ =	shalt  }
0x4a: {  	_ =	shalt  }
0x4b: {  	_ =	shalt  }
0x4c: {  	_ =	shalt  }
0x4d: {  	_ =	shalt  }
0x4e: {  	_ =	shalt  }
0x4f: {  	_ =	shalt  }
0x50: {  	_ =	shalt  }
0x51: {  	_ =	shalt  }
0x52: {  	_ =	shalt  }
0x53: {  	_ =	shalt  }
0x54: {  	_ =	shalt  }
0x55: {  	_ =	shalt  }
0x56: {  	_ =	shalt  }
0x57: {  	_ =	shalt  }
0x58: {  	_ =	shalt  }
0x59: {  	_ =	shalt  }
0x5a: {  	_ =	shalt  }
0x5b: {  	_ =	shalt  }
0x5c: {  	_ =	shalt  }
0x5d: {  	_ =	shalt  }
0x5e: {  	_ =	shalt  }
0x5f: {  	_ =	shalt  }
0x60: {  	_ =	shalt  }
0x61: {  	_ =	shalt  }
0x62: {  	_ =	shalt  }
0x63: {  	_ =	shalt  }
0x64: {  	_ =	shalt  }
0x65: {  	_ =	shalt  }
0x66: {  	_ =	shalt  }
0x67: {  	_ =	shalt  }
0x68: {  	_ =	shalt  }
0x69: {  	_ =	shalt  }
0x6a: {  	_ =	shalt  }
0x6b: {  	_ =	shalt  }
0x6c: {  	_ =	shalt  }
0x6d: {  	_ =	shalt  }
0x6e: {  	_ =	shalt  }
0x6f: {  	_ =	shalt  }
0x70: {  	_ =	shalt  }
0x71: {  	_ =	shalt  }
0x72: {  	_ =	shalt  }
0x73: {  	_ =	shalt  }
0x74: {  	_ =	shalt  }
0x75: {  	_ =	shalt  }
0x76: {  	_ =	shalt  }
0x77: {  	_ =	shalt  }
0x78: {  	_ =	shalt  }
0x79: {  	_ =	shalt  }
0x7a: {  	_ =	shalt  }
0x7b: {  	_ =	shalt  }
0x7c: {  	_ =	shalt  }
0x7d: {  	_ =	shalt  }
0x7e: {  	_ =	shalt  }
0x7f: {  	_ =	shalt  }
0x80: {  	_ =	shalt  }
0x81: {  	_ =	shalt  }
0x82: {  	_ =	shalt  }
0x83: {  	_ =	shalt  }
0x84: {  	_ =	shalt  }
0x85: {  	_ =	shalt  }
0x86: {  	_ =	shalt  }
0x87: {  	_ =	shalt  }
.Lfunc_end0:
.L_simem_size_0:
called_computation.1_lowered:
.L_overlay_start_0:
0x88: {  	s2 =	sld [smem:$0x3FD9]  }
0x89: {  	s3 =	sld [smem:$0x3FFE];
	_ =	sdelay $0x1  }
0x8a: {  	s1 =	srdreg.scid  }
0x8b: {  	s0 =	sand.u32 $0x1, s1  }
0x8c: {  	s17 =	sshll.u32 s0, $0xA;
	s2 =	sadd.s32 s3, s2  }
0x8d: {  	s2 =	sadd.s32 s2, s17  }
0x8e: {  	[smem:$0x3FC4] =	sst s2  }
0x8f: {  	_ = 	snop  }
0x90: {  	s2 =	sld [smem:$0x3FD0];
	(tm) =	ssettm $0x1  }
0x91: {  	s18 =	sld [smem:$0x3FFB];
	_ =	sdelay $0x3  }
0x92: {  	_ =	strace s18  }
0x93: {  	s3 =	sld [smem:$0x3FFC];
	_ =	sdelay $0x3  }
0x94: {  	_ =	strace s3  }
0x95: {  	s3 =	sld [smem:$0x3FFD];
	_ =	sdelay $0x3  }
0x96: {  	_ =	strace s3  }
0x97: {  	_ =	strace $0x8FFFFFFF  }
0x98: {  	s19 =	sld [smem:$0x3FDB];
	_ =	sdelay $0x1  }
0x99: {  	s4 =	simm.s32 $_scs_section_size  }
0x9a: {  	s5 =	simm.s32 $_size__tile_overlayer_lowered;
	s6 =	simm.s32 $_tile_overlayer_lowered  }
0x9b: {  	s22 =	simm.s32 $0x1BFF;
	s21 =	sshll.u32 s6, $0x1;
	s3 =	sadd.s32 s4, s19  }
0x9c: {  	s7 =	simm.s32 $0x0;
	s20 =	sshll.u32 s5, $0x1;
	s5 =	sadd.s32 s21, s3  }
0x9d: {  	[timem:s7], [sflag:s22] =	dma.local [hbm:s5], s20  }
0x9e: {  	_ =	swait.ge [sflag:s22], s20  }
0x9f: {  	s4 =	ssub.s32 $0x0, s20;
	[sflag:s22] =	ssyncset.done $0x0  }
0xa0: {  	[sflag:s22] =	ssyncadd.s32 s4;
	_ =	sdelay $0x1  }
0xa1: {  	s23 =	simm.s32 $0x1B8B  }
0xa2: {  	_ =	swait.ge [sflag:s23], $0x1  }
0xa3: {  	[sflag:s23] =	ssyncset.done $0x0  }
0xa4: {  	s25 =	simm.s32 $0x1B8E;
	s24 =	sld [smem:$0x3FFE];
	[sflag:s23] =	ssyncadd.s32 $0xFFFFFFFF  }
0xa5: {  	s26 =	simm.s32 $execute0_lowered;
	[smem:$0x3FD2] =	sst s25  }
0xa6: {  	s5 =	sshll.u32 s26, $0x1;
	_ =	strace $0x80000049;
	[dreg:$0x1] =	wrdreg $0xFFFFFFFF  }
0xa7: {  	s28 =	simm.s32 $_size_execute0_lowered;
	s3 =	sadd.s32 s3, s5;
	[dreg:$0x0] =	wrdreg $0x0  }
0xa8: {  	s5 =	sshll.u32 s28, $0x1;
	[dreg:$0x2] =	wrdreg s3  }
0xa9: {  	[dreg:$0x3] =	wrdreg s5  }
0xaa: {  	[dreg:$0x4] =	wrdreg $0xC0  }
0xab: {  	_ =	task [dreg:s7], $0x5FFFF  }
0xac: {  	[dreg:$0x1] =	wrdreg $0xFFFFFFFF  }
0xad: {  	[dreg:$0x0] =	wrdreg $0x60  }
0xae: {  	[dreg:$0x2] =	wrdreg s24  }
0xaf: {  	[dreg:$0x3] =	wrdreg s2  }
0xb0: {  	[dreg:$0x4] =	wrdreg $0x9E200  }
0xb1: {  	[dreg:$0x5] =	wrdreg $0x9  }
0xb2: {  	_ =	task.clear_ibuf [dreg:s7], $0x6FFFF;
	_ =	strace $0x90000049  }
0xb3: {  	s29 =	simm.s32 $0x9;
	_ =	strace $0x8000004B  }
0xb4: {  	_ =	swait.ge [sflag:s29], $0x1  }
0xb5: {  	[sflag:s29] =	ssyncadd.s32 $0xFFFFFFFF  }
0xb6: {  	_ =	strace $0x9000004B  }
0xb7: {  	_ =	sfence  }
0xb8: {  	s30 =	sld [smem:$0x0];
	_ =	sdelay $0x2  }
0xb9: {  	s31 =	sshll.u32 s1, $0xD;
	s1 =	sshrl.u32 s1, $0x2  }
0xba: {  	s3 =	sand.u32 $0x4000, s31;
	s1 =	sadd.s32 s1, s30  }
0xbb: {  	s0 =	sor.u32 s3, s0;
	s1 =	sshll.u32 s1, $0x11  }
0xbc: {  	s0 =	sor.u32 s1, s0  }
0xbd: {  	s0 =	sadd.s32 $0x8F2B, s0  }
0xbe: {  	[sflag:s0] =	ssyncadd.remote.s32 $0x1  }
0xbf: {  	_ =	sfence.sel $0xFFFF  }
0xc0: {  	[dreg:$0x0] =	wrdreg $0xFFFFFFFF;
	(pc) =	sbr.abs _section_cstart, $3  }
0xc1: {  	[dreg:$0x1] =	wrdreg $0xFFFFFFFF  }
0xc2: {  	_ =	task.clear_ibuf [dreg:s7], $0x2FFFF;
	_ =	strace $0x9FFFFFFF  }
0xc3: {  	(tm) =	ssettm $0x7FFFFFFF  }
tec
execute0_lowered:
.L_overlay_start_1:
0x0: {  	(tag) =	ssettag $0x1  }
0x1: {  	s0 =	rddreg [dreg:$0x0]  }
0x2: {  	s2 =	rddreg [dreg:$0x1]  }
0x3: {  	s3 =	rddreg [dreg:$0x2]  }
0x4: {  	s11 =	stileid.u32;
	s4 =	srdreg.scid;
	s6 =	simm.s32 $0x0  }
0x5: {  	s12 =	simm.s32 $0x2710;
	s15 =	simm.s32 $0x50;
	s16 =	simm.s32 $0x4E20  }
0x6: {  	s18 =	simm.s32 $0x6220;
	s19 =	simm.s32 $0x7620;
	s20 =	simm.s32 $0x1  }
0x7: {  	s21 =	simm.s32 $0x8A20;
	s22 =	simm.s32 $0x2;
	s1 =	smul.u32 $0x4E2, s11  }
0x8: {  	s28 =	simm.s32 $0x7;
	s30 =	simm.s32 $0x8;
	s5 =	smul.u32 $0x280, s11  }
0x9: {  	s4 =	sand.u32 $0x1, s4;
	[smem:$0x7FF] =	sst s6;
	s7 =	smul.u32 $0xA000, s11  }
0xa: {  	s31 =	sshll.u32 s11, $0x6;
	s23 =	smul.u32 $0x2800, s4;
	_ =	strace $0x8000004A  }
0xb: {  	s24 =	ssub.s32 $0x2, s4;
	s4 =	sshll.u32 s4, $0x1;
	s13 =	sor.u32 $0x1C09, s31  }
0xc: {  	s8 =	sadd.s32 s1, s0;
	s9 =	sshrl.u32 s7, $0x3;
	s10 =	sshrl.u32 s24, $0x1  }
0xd: {  	s7 =	sadd.s32 s7, s3;
	v0 =	vmov s4;
	s4 =	simm.s32 $0x0;
	s5 =	sadd.s32 s5, s23  }
0xe: {  	s9 =	sadd.s32 s9, s0;
	s10 =	ssub.s32 s24, s10;
	s25 =	sadd.s32 $0x2000, s8  }
0xf: {  	s14 =	sshrl.u32 s7, $0x3;
	s23 =	simm.s32 $0x5;
	s24 =	simm.s32 $0x3  }
0x10: {  	s5 =	sshll.u32 s5, $0x4;
	[dreg:$0x4] =	wrdreg s25;
	s6 =	sadd.s32 $0xBE00, s9  }
0x11: {  	s29 =	smax.u32 s10, $0x1;
	s10 =	simm.s32 $0x9;
	s5 =	sadd.s32 s5, s0  }
0x12: {  	s25 =	simm.s32 $0x6;
	[dreg:$0x7] =	wrdreg s29;
	s26 =	sadd.s32 $0x1FE00, s5  }
0x13: {  	s0 =	sadd.s32 $0x6E20, s0;
	s5 =	sadd.s32 $0x1FE08, s5;
	[dreg:$0x5] =	wrdreg s26  }
0x14: {  	s0 =	sadd.s32 s1, s0;
	s1 =	simm.s32 $0x10;
	[dreg:$0x6] =	wrdreg s5  }
0x15: {  	[dreg:$0x8] =	wrdreg s0;
	s26 =	simm.s32 $0x4;
	s0 =	simm.s32 $0x26C0  }
.LBB2_1:
0x16: {  	s5 =	simm.s32 $0x0;
	s7 =	rddreg [dreg:$0x4]  }
0x17: {  	[tilespmem:s5], [sflag:$0x9] =	stream.linear.gather [hbm4b:s7+s5], $0x2710, $0x38;
	[tilespmem:$0x13E20] =	vst v63  }
0x18: {  	_ =	swait.ge [sflag:s10], $0x2710  }
0x19: {  	[sflag:s10] =	ssyncset.done $0x0  }
0x1a: {  	s31 =	rddreg [dreg:$0x8];
	[sflag:s10] =	ssyncadd.s32 $0xFFFFD8F0  }
0x1b: {  	[tilespmem:s12], [sflag:$0x9] =	stream.linear.gather [hbm4b:s31+s5], $0x2710, $0x38;
	[tilespmem:$0x13E20] =	vst v63  }
0x1c: {  	_ =	swait.ge [sflag:s10], $0x2710  }
0x1d: {  	[sflag:s10] =	ssyncset.done $0x0  }
0x1e: {  	s5 =	simm.s32 $0x0;
	[sflag:s10] =	ssyncadd.s32 $0xFFFFD8F0  }
0x1f: {  	v3 =	vld [tilespmem:s5+$0x2710]  }
0x20: {  	v4 =	vld [tilespmem:s5+$0x2720]  }
0x21: {  	v2 =	vld [tilespmem:s5+$0x2730]  }
0x22: {  	s7 =	simm.s32 $0x140;
	v1 =	vld [tilespmem:s5+$0x2740]  }
.LBB2_2:
0x23: {  	p0 =	sne.s32 s7, $0x9B00;
	v5 =	vld [tilespmem:s5+$0x2750]  }
0x24: {  	v3 =	vshll.u32 v3, $0x2  }
0x25: {  	v3 =	vor.u32 v0, v3;
	v4 =	vshll.u32 v4, $0x2  }
.Ltmp0:
0x26: {  	s8 =	sshra.s32 s7, $0x2;
	[tilespmem:s5+$0x2710] =	vst v3;
	v4 =	vor.u32 v0, v4;
	v2 =	vshll.u32 v2, $0x2;
	(pc) =	sbr.rel @p0 .LBB2_2-.Ltmp0, $4  }
0x27: {  	v3 =	vld [tilespmem:s8+$0x2710];
	[tilespmem:s5+$0x2720] =	vst v4;
	v2 =	vor.u32 v0, v2;
	v1 =	vshll.u32 v1, $0x2  }
0x28: {  	v4 =	vld [tilespmem:s8+$0x2720];
	[tilespmem:s5+$0x2730] =	vst v2;
	v1 =	vor.u32 v0, v1;
	v5 =	vshll.u32 v5, $0x2  }
0x29: {  	v2 =	vld [tilespmem:s8+$0x2730];
	[tilespmem:s5+$0x2740] =	vst v1;
	v5 =	vor.u32 v0, v5  }
0x2a: {  	s7 =	sadd.s32 $0x140, s7;
	v1 =	vld [tilespmem:s8+$0x2740];
	[tilespmem:s5+$0x2750] =	vst v5;
	s5 =	smov.u32 s8  }
0x2b: {  	v5 =	vld [tilespmem:s5+$0x2750]  }
0x2c: {  	v3 =	vshll.u32 v3, $0x2  }
0x2d: {  	v3 =	vor.u32 v0, v3;
	v4 =	vshll.u32 v4, $0x2  }
0x2e: {  	[tilespmem:s5+$0x2710] =	vst v3;
	v3 =	vor.u32 v0, v4;
	v2 =	vshll.u32 v2, $0x2  }
0x2f: {  	[tilespmem:s5+$0x2720] =	vst v3;
	v2 =	vor.u32 v0, v2;
	v1 =	vshll.u32 v1, $0x2  }
0x30: {  	[tilespmem:s5+$0x2730] =	vst v2;
	v1 =	vor.u32 v0, v1;
	v2 =	vshll.u32 v5, $0x2  }
0x31: {  	[tilespmem:s5+$0x2740] =	vst v1;
	v1 =	vor.u32 v0, v2  }
0x32: {  	[tilespmem:s5+$0x2750] =	vst v1  }
0x33: {  	[spmem:s14], [sflag:s13] =	dma.local [hbm:s6], $0x1400  }
0x34: {  	_ =	swait.ge [sflag:s10], $0x1400  }
0x35: {  	[sflag:s10] =	ssyncset.done $0x0  }
0x36: {  	[sflag:s10] =	ssyncadd.s32 $0xFFFFEC00  }
0x37: {  	p0 =	por $0x1, $0x1;
	[bflag:$0x0] =	sbarrier.arrive $0xFFFF  }
0x38: {  	[tilespmem:s16], [sflag:$0x1] =	stream.indirect.gather [hbm4b:s2+s15], $0x40, s12, s15, $0xb8;
	[tilespmem:$0x13E20] =	vst v63  }
0x39: {  	s7 =	simm.s32 $0x2760;
	s5 =	simm.s32 @!p0 $0x7  }
0x3a: {  	[tilespmem:s18], [sflag:$0x2] =	stream.indirect.gather [hbm4b:s2+s15], $0x40, s7, s15, $0xb8;
	[tilespmem:$0x13E20] =	vst v63  }
0x3b: {  	_ =	swait.ge @!p0 [sflag:s5], $0x1400  }
0x3c: {  	[sflag:s5] =	ssyncset.done @!p0 $0x0  }
0x3d: {  	s7 =	simm.s32 $0x27B0;
	[sflag:s5] =	ssyncadd.s32 @!p0 $0xFFFFEC00  }
0x3e: {  	[tilespmem:s19], [sflag:$0x3] =	stream.indirect.gather [hbm4b:s2+s15], $0x40, s7, s15, $0xb8;
	[tilespmem:$0x13E20] =	vst v63  }
0x3f: {  	_ =	swait.ge [sflag:s20], $0x1400  }
0x40: {  	s8 =	simm.s32 $0x0;
	p0 =	por $0x1, $0x1;
	[sflag:s20] =	ssyncset.done $0x0  }
0x41: {  	s7 =	simm.s32 @!p0 $0x3C0;
	s9 =	simm.s32 @!p0 $0x8;
	[sflag:s20] =	ssyncadd.s32 $0xFFFFEC00  }
0x42: {  	[spmem:s3] =	stream.indirect.scatter.add.f32 [tilespmem:s16], [sflag:$0x5], $0x40, s8, s15, $0xb8;
	[tilespmem:$0x13E20] =	vst v63  }
0x43: {  	s7 =	simm.s32 @p0 $0x3C0;
	_ =	swait.ge @!p0 [sflag:s9], $0x1400  }
0x44: {  	s8 =	sshra.s32 s7, $0x2;
	[sflag:s9] =	ssyncset.done @!p0 $0x0  }
0x45: {  	s11 =	sadd.s32 $0x2710, s8;
	[sflag:s9] =	ssyncadd.s32 @!p0 $0xFFFFEC00  }
0x46: {  	[tilespmem:s21], [sflag:$0x4] =	stream.indirect.gather [hbm4b:s2+s15], $0x40, s11, s15, $0xb8;
	[tilespmem:$0x13E20] =	vst v63  }
0x47: {  	_ =	swait.ge [sflag:s22], $0x1400  }
0x48: {  	[sflag:s22] =	ssyncset.done $0x0  }
0x49: {  	s17 =	simm.s32 $0x50;
	[sflag:s22] =	ssyncadd.s32 $0xFFFFEC00  }
0x4a: {  	[spmem:s3] =	stream.indirect.scatter.add.f32 [tilespmem:s18], [sflag:$0x6], $0x40, s17, s15, $0xb8;
	[tilespmem:$0x13E20] =	vst v63  }
0x4b: {  	_ =	swait.ge [sflag:s23], $0x1400  }
0x4c: {  	[sflag:s23] =	ssyncset.done $0x0  }
0x4d: {  	s29 =	simm.s32 $0x2850;
	[sflag:s23] =	ssyncadd.s32 $0xFFFFEC00  }
0x4e: {  	[tilespmem:s16], [sflag:$0x1] =	stream.indirect.gather [hbm4b:s2+s15], $0x40, s29, s15, $0xb8;
	[tilespmem:$0x13E20] =	vst v63  }
0x4f: {  	_ =	swait.ge [sflag:s24], $0x1400  }
0x50: {  	[sflag:s24] =	ssyncset.done $0x0  }
0x51: {  	s31 =	simm.s32 $0xA0;
	p1 =	por $0x0, $0x0;
	[sflag:s24] =	ssyncadd.s32 $0xFFFFEC00  }
0x52: {  	[spmem:s3] =	stream.indirect.scatter.add.f32 [tilespmem:s19], [sflag:$0x7], $0x40, s31, s15, $0xb8;
	[tilespmem:$0x13E20] =	vst v63  }
0x53: {  	s5 =	simm.s32 $0xA00;
	s7 =	simm.s32 $0x500;
	_ =	swait.ge [sflag:s25], $0x1400  }
0x54: {  	s9 =	simm.s32 $0x28A0;
	s17 =	simm.s32 $0x2;
	[sflag:s25] =	ssyncset.done $0x0  }
.LBB2_4:
0x55: {  	s11 =	simm.s32 @!p1 $0x7  }
0x56: {  	[sflag:s25] =	ssyncadd.s32 $0xFFFFEC00;
	s29 =	smov.u32 s5;
	s5 =	sadd.s32 $0x500, s5  }
0x57: {  	[tilespmem:s18], [sflag:$0x2] =	stream.indirect.gather [hbm4b:s2+s15], $0x40, s9, s15, $0xb8;
	[tilespmem:$0x13E20] =	vst v63  }
0x58: {  	p0 =	sne.s32 s5, $0x9600;
	_ =	swait.ge [sflag:s26], $0x1400  }
0x59: {  	s9 =	sshra.s32 s7, $0x2;
	[sflag:s26] =	ssyncset.done $0x0  }
0x5a: {  	s31 =	sadd.s32 $0x27B0, s9;
	[sflag:s26] =	ssyncadd.s32 $0xFFFFEC00  }
0x5b: {  	[spmem:s3] =	stream.indirect.scatter.add.f32 [tilespmem:s21], [sflag:$0x8], $0x40, s8, s15, $0xb8;
	[tilespmem:$0x13E20] =	vst v63  }
0x5c: {  	_ =	swait.ge @!p1 [sflag:s11], $0x1400  }
0x5d: {  	s8 =	sadd.s32 $0x1, s17;
	[sflag:s11] =	ssyncset.done @!p1 $0x0  }
0x5e: {  	[sflag:s11] =	ssyncadd.s32 @!p1 $0xFFFFEC00;
	p1 =	sgt.u32 s8, $0x7C  }
0x5f: {  	[tilespmem:s19], [sflag:$0x3] =	stream.indirect.gather [hbm4b:s2+s15], $0x40, s31, s15, $0xb8;
	[tilespmem:$0x13E20] =	vst v63  }
0x60: {  	s8 =	sadd.s32 @!p1 $0x3C0, s7;
	s7 =	smov.u32 s29;
	_ =	swait.ge [sflag:s20], $0x1400  }
0x61: {  	s8 =	simm.s32 @p1 $0x3C0;
	[sflag:s20] =	ssyncset.done $0x0  }
0x62: {  	s11 =	simm.s32 @!p1 $0x8;
	[sflag:s20] =	ssyncadd.s32 $0xFFFFEC00  }
0x63: {  	[spmem:s3] =	stream.indirect.scatter.add.f32 [tilespmem:s16], [sflag:$0x5], $0x40, s9, s15, $0xb8;
	[tilespmem:$0x13E20] =	vst v63  }
0x64: {  	_ =	swait.ge @!p1 [sflag:s11], $0x1400  }
0x65: {  	s8 =	sshra.s32 s8, $0x2;
	[sflag:s11] =	ssyncset.done @!p1 $0x0  }
0x66: {  	s29 =	sadd.s32 $0x50, s9;
	[sflag:s11] =	ssyncadd.s32 @!p1 $0xFFFFEC00;
	s11 =	sadd.s32 $0x2710, s8  }
0x67: {  	[tilespmem:s21], [sflag:$0x4] =	stream.indirect.gather [hbm4b:s2+s15], $0x40, s11, s15, $0xb8;
	[tilespmem:$0x13E20] =	vst v63  }
0x68: {  	_ =	swait.ge [sflag:s22], $0x1400  }
0x69: {  	[sflag:s22] =	ssyncset.done $0x0  }
0x6a: {  	s11 =	sadd.s32 $0x2850, s9;
	[sflag:s22] =	ssyncadd.s32 $0xFFFFEC00  }
0x6b: {  	[spmem:s3] =	stream.indirect.scatter.add.f32 [tilespmem:s18], [sflag:$0x6], $0x40, s29, s15, $0xb8;
	[tilespmem:$0x13E20] =	vst v63  }
0x6c: {  	_ =	swait.ge [sflag:s23], $0x1400  }
0x6d: {  	[sflag:s23] =	ssyncset.done $0x0  }
0x6e: {  	s29 =	sadd.s32 $0xA0, s9;
	[sflag:s23] =	ssyncadd.s32 $0xFFFFEC00  }
0x6f: {  	[tilespmem:s16], [sflag:$0x1] =	stream.indirect.gather [hbm4b:s2+s15], $0x40, s11, s15, $0xb8;
	[tilespmem:$0x13E20] =	vst v63  }
0x70: {  	_ =	swait.ge [sflag:s24], $0x1400  }
.Ltmp1:
0x71: {  	[sflag:s24] =	ssyncset.done $0x0;
	(pc) =	sbr.rel @p0 .LBB2_4-.Ltmp1, $4  }
0x72: {  	s9 =	sadd.s32 $0x28A0, s9;
	[sflag:s24] =	ssyncadd.s32 $0xFFFFEC00  }
0x73: {  	[spmem:s3] =	stream.indirect.scatter.add.f32 [tilespmem:s19], [sflag:$0x7], $0x40, s29, s15, $0xb8;
	[tilespmem:$0x13E20] =	vst v63  }
0x74: {  	s17 =	sadd.s32 $0x4, s17;
	_ =	swait.ge [sflag:s25], $0x1400  }
0x75: {  	p1 =	sgt.u32 s17, $0x7C;
	[sflag:s25] =	ssyncset.done $0x0  }
0x76: {  	[sflag:s25] =	ssyncadd.s32 $0xFFFFEC00  }
0x77: {  	[tilespmem:s18], [sflag:$0x2] =	stream.indirect.gather [hbm4b:s2+s15], $0x40, s9, s15, $0xb8;
	[tilespmem:$0x13E20] =	vst v63  }
0x78: {  	_ =	swait.ge [sflag:s26], $0x1400  }
0x79: {  	[sflag:s26] =	ssyncset.done $0x0  }
0x7a: {  	s9 =	simm.s32 @!p1 $0x7;
	[sflag:s26] =	ssyncadd.s32 $0xFFFFEC00  }
0x7b: {  	[spmem:s3] =	stream.indirect.scatter.add.f32 [tilespmem:s21], [sflag:$0x8], $0x40, s8, s15, $0xb8;
	[tilespmem:$0x13E20] =	vst v63  }
0x7c: {  	_ =	swait.ge @!p1 [sflag:s9], $0x1400  }
0x7d: {  	s8 =	sshra.s32 s7, $0x2;
	[sflag:s9] =	ssyncset.done @!p1 $0x0  }
0x7e: {  	s29 =	sadd.s32 $0x27B0, s8;
	[sflag:s9] =	ssyncadd.s32 @!p1 $0xFFFFEC00  }
0x7f: {  	[tilespmem:s19], [sflag:$0x3] =	stream.indirect.gather [hbm4b:s2+s15], $0x40, s29, s15, $0xb8;
	[tilespmem:$0x13E20] =	vst v63  }
0x80: {  	s31 =	sadd.s32 $0x1, s17;
	_ =	swait.ge [sflag:s20], $0x1400  }
0x81: {  	p0 =	sgt.u32 s31, $0x7C;
	[sflag:s20] =	ssyncset.done $0x0  }
0x82: {  	s7 =	sadd.s32 @!p0 $0x3C0, s7;
	s9 =	simm.s32 @!p0 $0x8;
	[sflag:s20] =	ssyncadd.s32 $0xFFFFEC00  }
0x83: {  	[spmem:s3] =	stream.indirect.scatter.add.f32 [tilespmem:s16], [sflag:$0x5], $0x40, s8, s15, $0xb8;
	[tilespmem:$0x13E20] =	vst v63  }
0x84: {  	s7 =	simm.s32 @p0 $0x3C0;
	_ =	swait.ge @!p0 [sflag:s9], $0x1400  }
0x85: {  	s7 =	sshra.s32 s7, $0x2;
	[sflag:s9] =	ssyncset.done @!p0 $0x0  }
0x86: {  	s11 =	sadd.s32 $0x2710, s7;
	[sflag:s9] =	ssyncadd.s32 @!p0 $0xFFFFEC00  }
0x87: {  	[tilespmem:s21], [sflag:$0x4] =	stream.indirect.gather [hbm4b:s2+s15], $0x40, s11, s15, $0xb8;
	[tilespmem:$0x13E20] =	vst v63  }
0x88: {  	_ =	swait.ge [sflag:s22], $0x1400  }
0x89: {  	[sflag:s22] =	ssyncset.done $0x0  }
0x8a: {  	s17 =	sadd.s32 $0x50, s8;
	[sflag:s22] =	ssyncadd.s32 $0xFFFFEC00  }
0x8b: {  	[spmem:s3] =	stream.indirect.scatter.add.f32 [tilespmem:s18], [sflag:$0x6], $0x40, s17, s15, $0xb8;
	[tilespmem:$0x13E20] =	vst v63  }
0x8c: {  	_ =	swait.ge [sflag:s23], $0x1400  }
0x8d: {  	[sflag:s23] =	ssyncset.done $0x0  }
0x8e: {  	s29 =	sadd.s32 $0x2850, s8;
	[sflag:s23] =	ssyncadd.s32 $0xFFFFEC00  }
0x8f: {  	[tilespmem:s16], [sflag:$0x1] =	stream.indirect.gather [hbm4b:s2+s15], $0x40, s29, s15, $0xb8;
	[tilespmem:$0x13E20] =	vst v63  }
0x90: {  	_ =	swait.ge [sflag:s24], $0x1400  }
0x91: {  	[sflag:s24] =	ssyncset.done $0x0  }
0x92: {  	s31 =	sadd.s32 $0xA0, s8;
	[sflag:s24] =	ssyncadd.s32 $0xFFFFEC00  }
0x93: {  	[spmem:s3] =	stream.indirect.scatter.add.f32 [tilespmem:s19], [sflag:$0x7], $0x40, s31, s15, $0xb8;
	[tilespmem:$0x13E20] =	vst v63  }
0x94: {  	_ =	swait.ge [sflag:s25], $0x1400  }
0x95: {  	[sflag:s25] =	ssyncset.done $0x0  }
0x96: {  	s8 =	sadd.s32 $0x28A0, s8;
	[sflag:s25] =	ssyncadd.s32 $0xFFFFEC00  }
0x97: {  	[tilespmem:s18], [sflag:$0x2] =	stream.indirect.gather [hbm4b:s2+s15], $0x40, s8, s15, $0xb8;
	[tilespmem:$0x13E20] =	vst v63  }
0x98: {  	_ =	swait.ge [sflag:s26], $0x1400  }
0x99: {  	[sflag:s26] =	ssyncset.done $0x0  }
0x9a: {  	[sflag:s26] =	ssyncadd.s32 $0xFFFFEC00  }
0x9b: {  	[spmem:s3] =	stream.indirect.scatter.add.f32 [tilespmem:s21], [sflag:$0x8], $0x40, s7, s15, $0xb8;
	[tilespmem:$0x13E20] =	vst v63  }
0x9c: {  	_ =	swait.ge [sflag:s28], $0x1400  }
0x9d: {  	[sflag:s28] =	ssyncset.done $0x0  }
0x9e: {  	s8 =	simm.s32 $0x4D30;
	[sflag:s28] =	ssyncadd.s32 $0xFFFFEC00  }
0x9f: {  	[tilespmem:s19], [sflag:$0x3] =	stream.indirect.gather [hbm4b:s2+s15], $0x40, s8, s15, $0xb8;
	[tilespmem:$0x13E20] =	vst v63  }
0xa0: {  	_ =	swait.ge [sflag:s20], $0x1400  }
0xa1: {  	[sflag:s20] =	ssyncset.done $0x0  }
0xa2: {  	s5 =	sshra.s32 s5, $0x2;
	[sflag:s20] =	ssyncadd.s32 $0xFFFFEC00  }
0xa3: {  	[spmem:s3] =	stream.indirect.scatter.add.f32 [tilespmem:s16], [sflag:$0x5], $0x40, s5, s15, $0xb8;
	[tilespmem:$0x13E20] =	vst v63  }
0xa4: {  	_ =	swait.ge [sflag:s30], $0x1400  }
0xa5: {  	[sflag:s30] =	ssyncset.done $0x0  }
0xa6: {  	s9 =	sadd.s32 $0x2800, s5;
	[sflag:s30] =	ssyncadd.s32 $0xFFFFEC00  }
0xa7: {  	[tilespmem:s21], [sflag:$0x4] =	stream.indirect.gather [hbm4b:s2+s15], $0x40, s9, s15, $0xb8;
	[tilespmem:$0x13E20] =	vst v63  }
0xa8: {  	_ =	swait.ge [sflag:s22], $0x1400  }
0xa9: {  	[sflag:s22] =	ssyncset.done $0x0  }
0xaa: {  	s11 =	sadd.s32 $0x50, s5;
	[sflag:s22] =	ssyncadd.s32 $0xFFFFEC00  }
0xab: {  	[spmem:s3] =	stream.indirect.scatter.add.f32 [tilespmem:s18], [sflag:$0x6], $0x40, s11, s15, $0xb8;
	[tilespmem:$0x13E20] =	vst v63  }
0xac: {  	_ =	swait.ge [sflag:s23], $0x1400  }
0xad: {  	[sflag:s23] =	ssyncset.done $0x0  }
0xae: {  	s17 =	sadd.s32 $0x2850, s5;
	[sflag:s23] =	ssyncadd.s32 $0xFFFFEC00  }
0xaf: {  	[tilespmem:s16], [sflag:$0x1] =	stream.indirect.gather [hbm4b:s2+s15], $0x40, s17, s15, $0xb8;
	[tilespmem:$0x13E20] =	vst v63  }
0xb0: {  	_ =	swait.ge [sflag:s24], $0x1400  }
0xb1: {  	[sflag:s24] =	ssyncset.done $0x0  }
0xb2: {  	s29 =	simm.s32 $0x2620;
	[sflag:s24] =	ssyncadd.s32 $0xFFFFEC00  }
0xb3: {  	[spmem:s3] =	stream.indirect.scatter.add.f32 [tilespmem:s19], [sflag:$0x7], $0x40, s29, s15, $0xb8;
	[tilespmem:$0x13E20] =	vst v63  }
0xb4: {  	_ =	swait.ge [sflag:s25], $0x1400  }
0xb5: {  	[sflag:s25] =	ssyncset.done $0x0  }
0xb6: {  	[sflag:s25] =	ssyncadd.s32 $0xFFFFEC00  }
0xb7: {  	_ =	swait.ge [sflag:s26], $0x1400  }
0xb8: {  	[sflag:s26] =	ssyncset.done $0x0  }
0xb9: {  	s5 =	sadd.s32 $0xF0, s5;
	[sflag:s26] =	ssyncadd.s32 $0xFFFFEC00  }
0xba: {  	[spmem:s3] =	stream.indirect.scatter.add.f32 [tilespmem:s21], [sflag:$0x8], $0x40, s5, s15, $0xb8;
	[tilespmem:$0x13E20] =	vst v63  }
0xbb: {  	_ =	swait.ge [sflag:s28], $0x1400  }
0xbc: {  	[sflag:s28] =	ssyncset.done $0x0  }
0xbd: {  	[sflag:s28] =	ssyncadd.s32 $0xFFFFEC00  }
0xbe: {  	_ =	swait.ge [sflag:s20], $0x1400  }
0xbf: {  	[sflag:s20] =	ssyncset.done $0x0  }
0xc0: {  	[sflag:s20] =	ssyncadd.s32 $0xFFFFEC00  }
0xc1: {  	[spmem:s3] =	stream.indirect.scatter.add.f32 [tilespmem:s16], [sflag:$0x5], $0x40, s0, s15, $0xb8;
	[tilespmem:$0x13E20] =	vst v63  }
0xc2: {  	_ =	swait.ge [sflag:s30], $0x1400  }
0xc3: {  	[sflag:s30] =	ssyncset.done $0x0  }
0xc4: {  	[sflag:s30] =	ssyncadd.s32 $0xFFFFEC00  }
0xc5: {  	_ =	swait.ge [sflag:s23], $0x1400  }
0xc6: {  	[sflag:s23] =	ssyncset.done $0x0  }
0xc7: {  	[sflag:s23] =	ssyncadd.s32 $0xFFFFEC00  }
0xc8: {  	[bflag:$0x0] =	sbarrier.arrive $0xFFFF  }
0xc9: {  	s31 =	rddreg [dreg:$0x5]  }
0xca: {  	[hbm:s31@s1], [sflag:s13] =	dma.strided [spmem:s14@s30], $0x1400, s20, $0x8   }
0xcb: {  	_ =	swait.ge [sflag:s10], $0x1400  }
0xcc: {  	[sflag:s10] =	ssyncset.done $0x0  }
0xcd: {  	s5 =	simm.s32 $0x0;
	[sflag:s10] =	ssyncadd.s32 $0xFFFFEC00  }
0xce: {  	v4 =	vld [tilespmem:s5+$0x2710]  }
0xcf: {  	v3 =	vld [tilespmem:s5+$0x2720]  }
0xd0: {  	v2 =	vld [tilespmem:s5+$0x2730]  }
0xd1: {  	s7 =	simm.s32 $0x140;
	v1 =	vld [tilespmem:s5+$0x2740]  }
.LBB2_6:
0xd2: {  	p0 =	sne.s32 s7, $0x9B00;
	v5 =	vld [tilespmem:s5+$0x2750]  }
0xd3: {  	v4 =	vadd.s32 $0x1, v4  }
.Ltmp2:
0xd4: {  	s8 =	sshra.s32 s7, $0x2;
	[tilespmem:s5+$0x2710] =	vst v4;
	v3 =	vadd.s32 $0x1, v3;
	(pc) =	sbr.rel @p0 .LBB2_6-.Ltmp2, $4  }
0xd5: {  	v4 =	vld [tilespmem:s8+$0x2710];
	[tilespmem:s5+$0x2720] =	vst v3;
	v2 =	vadd.s32 $0x1, v2  }
0xd6: {  	v3 =	vld [tilespmem:s8+$0x2720];
	[tilespmem:s5+$0x2730] =	vst v2;
	v1 =	vadd.s32 $0x1, v1  }
0xd7: {  	v2 =	vld [tilespmem:s8+$0x2730];
	[tilespmem:s5+$0x2740] =	vst v1;
	v5 =	vadd.s32 $0x1, v5  }
0xd8: {  	s7 =	sadd.s32 $0x140, s7;
	v1 =	vld [tilespmem:s8+$0x2740];
	[tilespmem:s5+$0x2750] =	vst v5;
	s5 =	smov.u32 s8  }
0xd9: {  	v5 =	vld [tilespmem:s5+$0x2750]  }
0xda: {  	v4 =	vadd.s32 $0x1, v4  }
0xdb: {  	[tilespmem:s5+$0x2710] =	vst v4;
	v3 =	vadd.s32 $0x1, v3  }
0xdc: {  	[tilespmem:s5+$0x2720] =	vst v3;
	v2 =	vadd.s32 $0x1, v2  }
0xdd: {  	[tilespmem:s5+$0x2730] =	vst v2;
	v1 =	vadd.s32 $0x1, v1  }
0xde: {  	[tilespmem:s5+$0x2740] =	vst v1;
	v1 =	vadd.s32 $0x1, v5  }
0xdf: {  	[tilespmem:s5+$0x2750] =	vst v1  }
0xe0: {  	[spmem:s14], [sflag:s13] =	dma.local [hbm:s6], $0x1400  }
0xe1: {  	_ =	swait.ge [sflag:s10], $0x1400  }
0xe2: {  	[sflag:s10] =	ssyncset.done $0x0  }
0xe3: {  	[sflag:s10] =	ssyncadd.s32 $0xFFFFEC00  }
0xe4: {  	p0 =	por $0x1, $0x1;
	[bflag:$0x0] =	sbarrier.arrive $0xFFFF  }
0xe5: {  	[tilespmem:s16], [sflag:$0x1] =	stream.indirect.gather [hbm4b:s2+s15], $0x40, s12, s15, $0xb8;
	[tilespmem:$0x13E20] =	vst v63  }
0xe6: {  	s7 =	simm.s32 $0x2760;
	s5 =	simm.s32 @!p0 $0x7  }
0xe7: {  	[tilespmem:s18], [sflag:$0x2] =	stream.indirect.gather [hbm4b:s2+s15], $0x40, s7, s15, $0xb8;
	[tilespmem:$0x13E20] =	vst v63  }
0xe8: {  	_ =	swait.ge @!p0 [sflag:s5], $0x1400  }
0xe9: {  	[sflag:s5] =	ssyncset.done @!p0 $0x0  }
0xea: {  	s7 =	simm.s32 $0x27B0;
	[sflag:s5] =	ssyncadd.s32 @!p0 $0xFFFFEC00  }
0xeb: {  	[tilespmem:s19], [sflag:$0x3] =	stream.indirect.gather [hbm4b:s2+s15], $0x40, s7, s15, $0xb8;
	[tilespmem:$0x13E20] =	vst v63  }
0xec: {  	_ =	swait.ge [sflag:s20], $0x1400  }
0xed: {  	s8 =	simm.s32 $0x0;
	p0 =	por $0x1, $0x1;
	[sflag:s20] =	ssyncset.done $0x0  }
0xee: {  	s7 =	simm.s32 @!p0 $0x3C0;
	s9 =	simm.s32 @!p0 $0x8;
	[sflag:s20] =	ssyncadd.s32 $0xFFFFEC00  }
0xef: {  	[spmem:s3] =	stream.indirect.scatter.add.f32 [tilespmem:s16], [sflag:$0x5], $0x40, s8, s15, $0xb8;
	[tilespmem:$0x13E20] =	vst v63  }
0xf0: {  	s7 =	simm.s32 @p0 $0x3C0;
	_ =	swait.ge @!p0 [sflag:s9], $0x1400  }
0xf1: {  	s8 =	sshra.s32 s7, $0x2;
	[sflag:s9] =	ssyncset.done @!p0 $0x0  }
0xf2: {  	s11 =	sadd.s32 $0x2710, s8;
	[sflag:s9] =	ssyncadd.s32 @!p0 $0xFFFFEC00  }
0xf3: {  	[tilespmem:s21], [sflag:$0x4] =	stream.indirect.gather [hbm4b:s2+s15], $0x40, s11, s15, $0xb8;
	[tilespmem:$0x13E20] =	vst v63  }
0xf4: {  	_ =	swait.ge [sflag:s22], $0x1400  }
0xf5: {  	[sflag:s22] =	ssyncset.done $0x0  }
0xf6: {  	s17 =	simm.s32 $0x50;
	[sflag:s22] =	ssyncadd.s32 $0xFFFFEC00  }
0xf7: {  	[spmem:s3] =	stream.indirect.scatter.add.f32 [tilespmem:s18], [sflag:$0x6], $0x40, s17, s15, $0xb8;
	[tilespmem:$0x13E20] =	vst v63  }
0xf8: {  	_ =	swait.ge [sflag:s23], $0x1400  }
0xf9: {  	[sflag:s23] =	ssyncset.done $0x0  }
0xfa: {  	s29 =	simm.s32 $0x2850;
	[sflag:s23] =	ssyncadd.s32 $0xFFFFEC00  }
0xfb: {  	[tilespmem:s16], [sflag:$0x1] =	stream.indirect.gather [hbm4b:s2+s15], $0x40, s29, s15, $0xb8;
	[tilespmem:$0x13E20] =	vst v63  }
0xfc: {  	_ =	swait.ge [sflag:s24], $0x1400  }
0xfd: {  	[sflag:s24] =	ssyncset.done $0x0  }
0xfe: {  	s31 =	simm.s32 $0xA0;
	p1 =	por $0x0, $0x0;
	[sflag:s24] =	ssyncadd.s32 $0xFFFFEC00  }
0xff: {  	[spmem:s3] =	stream.indirect.scatter.add.f32 [tilespmem:s19], [sflag:$0x7], $0x40, s31, s15, $0xb8;
	[tilespmem:$0x13E20] =	vst v63  }
0x100: {  	s5 =	simm.s32 $0xA00;
	s7 =	simm.s32 $0x500;
	_ =	swait.ge [sflag:s25], $0x1400  }
0x101: {  	s9 =	simm.s32 $0x28A0;
	s17 =	simm.s32 $0x2;
	[sflag:s25] =	ssyncset.done $0x0  }
.LBB2_8:
0x102: {  	s11 =	simm.s32 @!p1 $0x7  }
0x103: {  	[sflag:s25] =	ssyncadd.s32 $0xFFFFEC00;
	s29 =	smov.u32 s5;
	s5 =	sadd.s32 $0x500, s5  }
0x104: {  	[tilespmem:s18], [sflag:$0x2] =	stream.indirect.gather [hbm4b:s2+s15], $0x40, s9, s15, $0xb8;
	[tilespmem:$0x13E20] =	vst v63  }
0x105: {  	p0 =	sne.s32 s5, $0x9600;
	_ =	swait.ge [sflag:s26], $0x1400  }
0x106: {  	s9 =	sshra.s32 s7, $0x2;
	[sflag:s26] =	ssyncset.done $0x0  }
0x107: {  	s31 =	sadd.s32 $0x27B0, s9;
	[sflag:s26] =	ssyncadd.s32 $0xFFFFEC00  }
0x108: {  	[spmem:s3] =	stream.indirect.scatter.add.f32 [tilespmem:s21], [sflag:$0x8], $0x40, s8, s15, $0xb8;
	[tilespmem:$0x13E20] =	vst v63  }
0x109: {  	_ =	swait.ge @!p1 [sflag:s11], $0x1400  }
0x10a: {  	s8 =	sadd.s32 $0x1, s17;
	[sflag:s11] =	ssyncset.done @!p1 $0x0  }
0x10b: {  	[sflag:s11] =	ssyncadd.s32 @!p1 $0xFFFFEC00;
	p1 =	sgt.u32 s8, $0x7C  }
0x10c: {  	[tilespmem:s19], [sflag:$0x3] =	stream.indirect.gather [hbm4b:s2+s15], $0x40, s31, s15, $0xb8;
	[tilespmem:$0x13E20] =	vst v63  }
0x10d: {  	s8 =	sadd.s32 @!p1 $0x3C0, s7;
	s7 =	smov.u32 s29;
	_ =	swait.ge [sflag:s20], $0x1400  }
0x10e: {  	s8 =	simm.s32 @p1 $0x3C0;
	[sflag:s20] =	ssyncset.done $0x0  }
0x10f: {  	s11 =	simm.s32 @!p1 $0x8;
	[sflag:s20] =	ssyncadd.s32 $0xFFFFEC00  }
0x110: {  	[spmem:s3] =	stream.indirect.scatter.add.f32 [tilespmem:s16], [sflag:$0x5], $0x40, s9, s15, $0xb8;
	[tilespmem:$0x13E20] =	vst v63  }
0x111: {  	_ =	swait.ge @!p1 [sflag:s11], $0x1400  }
0x112: {  	s8 =	sshra.s32 s8, $0x2;
	[sflag:s11] =	ssyncset.done @!p1 $0x0  }
0x113: {  	s29 =	sadd.s32 $0x50, s9;
	[sflag:s11] =	ssyncadd.s32 @!p1 $0xFFFFEC00;
	s11 =	sadd.s32 $0x2710, s8  }
0x114: {  	[tilespmem:s21], [sflag:$0x4] =	stream.indirect.gather [hbm4b:s2+s15], $0x40, s11, s15, $0xb8;
	[tilespmem:$0x13E20] =	vst v63  }
0x115: {  	_ =	swait.ge [sflag:s22], $0x1400  }
0x116: {  	[sflag:s22] =	ssyncset.done $0x0  }
0x117: {  	s11 =	sadd.s32 $0x2850, s9;
	[sflag:s22] =	ssyncadd.s32 $0xFFFFEC00  }
0x118: {  	[spmem:s3] =	stream.indirect.scatter.add.f32 [tilespmem:s18], [sflag:$0x6], $0x40, s29, s15, $0xb8;
	[tilespmem:$0x13E20] =	vst v63  }
0x119: {  	_ =	swait.ge [sflag:s23], $0x1400  }
0x11a: {  	[sflag:s23] =	ssyncset.done $0x0  }
0x11b: {  	s29 =	sadd.s32 $0xA0, s9;
	[sflag:s23] =	ssyncadd.s32 $0xFFFFEC00  }
0x11c: {  	[tilespmem:s16], [sflag:$0x1] =	stream.indirect.gather [hbm4b:s2+s15], $0x40, s11, s15, $0xb8;
	[tilespmem:$0x13E20] =	vst v63  }
0x11d: {  	_ =	swait.ge [sflag:s24], $0x1400  }
.Ltmp3:
0x11e: {  	[sflag:s24] =	ssyncset.done $0x0;
	(pc) =	sbr.rel @p0 .LBB2_8-.Ltmp3, $4  }
0x11f: {  	s9 =	sadd.s32 $0x28A0, s9;
	[sflag:s24] =	ssyncadd.s32 $0xFFFFEC00  }
0x120: {  	[spmem:s3] =	stream.indirect.scatter.add.f32 [tilespmem:s19], [sflag:$0x7], $0x40, s29, s15, $0xb8;
	[tilespmem:$0x13E20] =	vst v63  }
0x121: {  	s17 =	sadd.s32 $0x4, s17;
	_ =	swait.ge [sflag:s25], $0x1400  }
0x122: {  	p1 =	sgt.u32 s17, $0x7C;
	[sflag:s25] =	ssyncset.done $0x0  }
0x123: {  	[sflag:s25] =	ssyncadd.s32 $0xFFFFEC00  }
0x124: {  	[tilespmem:s18], [sflag:$0x2] =	stream.indirect.gather [hbm4b:s2+s15], $0x40, s9, s15, $0xb8;
	[tilespmem:$0x13E20] =	vst v63  }
0x125: {  	_ =	swait.ge [sflag:s26], $0x1400  }
0x126: {  	[sflag:s26] =	ssyncset.done $0x0  }
0x127: {  	s9 =	simm.s32 @!p1 $0x7;
	[sflag:s26] =	ssyncadd.s32 $0xFFFFEC00  }
0x128: {  	[spmem:s3] =	stream.indirect.scatter.add.f32 [tilespmem:s21], [sflag:$0x8], $0x40, s8, s15, $0xb8;
	[tilespmem:$0x13E20] =	vst v63  }
0x129: {  	_ =	swait.ge @!p1 [sflag:s9], $0x1400  }
0x12a: {  	s8 =	sshra.s32 s7, $0x2;
	[sflag:s9] =	ssyncset.done @!p1 $0x0  }
0x12b: {  	s11 =	sadd.s32 $0x27B0, s8;
	[sflag:s9] =	ssyncadd.s32 @!p1 $0xFFFFEC00  }
0x12c: {  	[tilespmem:s19], [sflag:$0x3] =	stream.indirect.gather [hbm4b:s2+s15], $0x40, s11, s15, $0xb8;
	[tilespmem:$0x13E20] =	vst v63  }
0x12d: {  	s29 =	sadd.s32 $0x1, s17;
	_ =	swait.ge [sflag:s20], $0x1400  }
0x12e: {  	p0 =	sgt.u32 s29, $0x7C;
	[sflag:s20] =	ssyncset.done $0x0  }
0x12f: {  	s7 =	sadd.s32 @!p0 $0x3C0, s7;
	s9 =	simm.s32 @!p0 $0x8;
	[sflag:s20] =	ssyncadd.s32 $0xFFFFEC00  }
0x130: {  	[spmem:s3] =	stream.indirect.scatter.add.f32 [tilespmem:s16], [sflag:$0x5], $0x40, s8, s15, $0xb8;
	[tilespmem:$0x13E20] =	vst v63  }
0x131: {  	s7 =	simm.s32 @p0 $0x3C0;
	_ =	swait.ge @!p0 [sflag:s9], $0x1400  }
0x132: {  	s7 =	sshra.s32 s7, $0x2;
	[sflag:s9] =	ssyncset.done @!p0 $0x0  }
0x133: {  	s31 =	sadd.s32 $0x2710, s7;
	[sflag:s9] =	ssyncadd.s32 @!p0 $0xFFFFEC00  }
0x134: {  	[tilespmem:s21], [sflag:$0x4] =	stream.indirect.gather [hbm4b:s2+s15], $0x40, s31, s15, $0xb8;
	[tilespmem:$0x13E20] =	vst v63  }
0x135: {  	_ =	swait.ge [sflag:s22], $0x1400  }
0x136: {  	[sflag:s22] =	ssyncset.done $0x0  }
0x137: {  	s11 =	sadd.s32 $0x50, s8;
	[sflag:s22] =	ssyncadd.s32 $0xFFFFEC00  }
0x138: {  	[spmem:s3] =	stream.indirect.scatter.add.f32 [tilespmem:s18], [sflag:$0x6], $0x40, s11, s15, $0xb8;
	[tilespmem:$0x13E20] =	vst v63  }
0x139: {  	_ =	swait.ge [sflag:s23], $0x1400  }
0x13a: {  	[sflag:s23] =	ssyncset.done $0x0  }
0x13b: {  	s17 =	sadd.s32 $0x2850, s8;
	[sflag:s23] =	ssyncadd.s32 $0xFFFFEC00  }
0x13c: {  	[tilespmem:s16], [sflag:$0x1] =	stream.indirect.gather [hbm4b:s2+s15], $0x40, s17, s15, $0xb8;
	[tilespmem:$0x13E20] =	vst v63  }
0x13d: {  	_ =	swait.ge [sflag:s24], $0x1400  }
0x13e: {  	[sflag:s24] =	ssyncset.done $0x0  }
0x13f: {  	s29 =	sadd.s32 $0xA0, s8;
	[sflag:s24] =	ssyncadd.s32 $0xFFFFEC00  }
0x140: {  	[spmem:s3] =	stream.indirect.scatter.add.f32 [tilespmem:s19], [sflag:$0x7], $0x40, s29, s15, $0xb8;
	[tilespmem:$0x13E20] =	vst v63  }
0x141: {  	_ =	swait.ge [sflag:s25], $0x1400  }
0x142: {  	[sflag:s25] =	ssyncset.done $0x0  }
0x143: {  	s8 =	sadd.s32 $0x28A0, s8;
	[sflag:s25] =	ssyncadd.s32 $0xFFFFEC00  }
0x144: {  	[tilespmem:s18], [sflag:$0x2] =	stream.indirect.gather [hbm4b:s2+s15], $0x40, s8, s15, $0xb8;
	[tilespmem:$0x13E20] =	vst v63  }
0x145: {  	_ =	swait.ge [sflag:s26], $0x1400  }
0x146: {  	[sflag:s26] =	ssyncset.done $0x0  }
0x147: {  	[sflag:s26] =	ssyncadd.s32 $0xFFFFEC00  }
0x148: {  	[spmem:s3] =	stream.indirect.scatter.add.f32 [tilespmem:s21], [sflag:$0x8], $0x40, s7, s15, $0xb8;
	[tilespmem:$0x13E20] =	vst v63  }
0x149: {  	_ =	swait.ge [sflag:s28], $0x1400  }
0x14a: {  	[sflag:s28] =	ssyncset.done $0x0  }
0x14b: {  	s31 =	simm.s32 $0x4D30;
	[sflag:s28] =	ssyncadd.s32 $0xFFFFEC00  }
0x14c: {  	[tilespmem:s19], [sflag:$0x3] =	stream.indirect.gather [hbm4b:s2+s15], $0x40, s31, s15, $0xb8;
	[tilespmem:$0x13E20] =	vst v63  }
0x14d: {  	_ =	swait.ge [sflag:s20], $0x1400  }
0x14e: {  	[sflag:s20] =	ssyncset.done $0x0  }
0x14f: {  	s5 =	sshra.s32 s5, $0x2;
	[sflag:s20] =	ssyncadd.s32 $0xFFFFEC00  }
0x150: {  	[spmem:s3] =	stream.indirect.scatter.add.f32 [tilespmem:s16], [sflag:$0x5], $0x40, s5, s15, $0xb8;
	[tilespmem:$0x13E20] =	vst v63  }
0x151: {  	_ =	swait.ge [sflag:s30], $0x1400  }
0x152: {  	[sflag:s30] =	ssyncset.done $0x0  }
0x153: {  	s8 =	sadd.s32 $0x2800, s5;
	[sflag:s30] =	ssyncadd.s32 $0xFFFFEC00  }
0x154: {  	[tilespmem:s21], [sflag:$0x4] =	stream.indirect.gather [hbm4b:s2+s15], $0x40, s8, s15, $0xb8;
	[tilespmem:$0x13E20] =	vst v63  }
0x155: {  	_ =	swait.ge [sflag:s22], $0x1400  }
0x156: {  	[sflag:s22] =	ssyncset.done $0x0  }
0x157: {  	s9 =	sadd.s32 $0x50, s5;
	[sflag:s22] =	ssyncadd.s32 $0xFFFFEC00  }
0x158: {  	[spmem:s3] =	stream.indirect.scatter.add.f32 [tilespmem:s18], [sflag:$0x6], $0x40, s9, s15, $0xb8;
	[tilespmem:$0x13E20] =	vst v63  }
0x159: {  	_ =	swait.ge [sflag:s23], $0x1400  }
0x15a: {  	[sflag:s23] =	ssyncset.done $0x0  }
0x15b: {  	s11 =	sadd.s32 $0x2850, s5;
	[sflag:s23] =	ssyncadd.s32 $0xFFFFEC00  }
0x15c: {  	[tilespmem:s16], [sflag:$0x1] =	stream.indirect.gather [hbm4b:s2+s15], $0x40, s11, s15, $0xb8;
	[tilespmem:$0x13E20] =	vst v63  }
0x15d: {  	_ =	swait.ge [sflag:s24], $0x1400  }
0x15e: {  	[sflag:s24] =	ssyncset.done $0x0  }
0x15f: {  	s17 =	simm.s32 $0x2620;
	[sflag:s24] =	ssyncadd.s32 $0xFFFFEC00  }
0x160: {  	[spmem:s3] =	stream.indirect.scatter.add.f32 [tilespmem:s19], [sflag:$0x7], $0x40, s17, s15, $0xb8;
	[tilespmem:$0x13E20] =	vst v63  }
0x161: {  	_ =	swait.ge [sflag:s25], $0x1400  }
0x162: {  	[sflag:s25] =	ssyncset.done $0x0  }
0x163: {  	[sflag:s25] =	ssyncadd.s32 $0xFFFFEC00  }
0x164: {  	_ =	swait.ge [sflag:s26], $0x1400  }
0x165: {  	[sflag:s26] =	ssyncset.done $0x0  }
0x166: {  	s5 =	sadd.s32 $0xF0, s5;
	[sflag:s26] =	ssyncadd.s32 $0xFFFFEC00  }
0x167: {  	[spmem:s3] =	stream.indirect.scatter.add.f32 [tilespmem:s21], [sflag:$0x8], $0x40, s5, s15, $0xb8;
	[tilespmem:$0x13E20] =	vst v63  }
0x168: {  	_ =	swait.ge [sflag:s28], $0x1400  }
0x169: {  	[sflag:s28] =	ssyncset.done $0x0  }
0x16a: {  	[sflag:s28] =	ssyncadd.s32 $0xFFFFEC00  }
0x16b: {  	_ =	swait.ge [sflag:s20], $0x1400  }
0x16c: {  	[sflag:s20] =	ssyncset.done $0x0  }
0x16d: {  	[sflag:s20] =	ssyncadd.s32 $0xFFFFEC00  }
0x16e: {  	[spmem:s3] =	stream.indirect.scatter.add.f32 [tilespmem:s16], [sflag:$0x5], $0x40, s0, s15, $0xb8;
	[tilespmem:$0x13E20] =	vst v63  }
0x16f: {  	_ =	swait.ge [sflag:s30], $0x1400  }
0x170: {  	[sflag:s30] =	ssyncset.done $0x0  }
0x171: {  	[sflag:s30] =	ssyncadd.s32 $0xFFFFEC00  }
0x172: {  	_ =	swait.ge [sflag:s23], $0x1400  }
0x173: {  	[sflag:s23] =	ssyncset.done $0x0  }
0x174: {  	[sflag:s23] =	ssyncadd.s32 $0xFFFFEC00  }
0x175: {  	[bflag:$0x0] =	sbarrier.arrive $0xFFFF  }
0x176: {  	s29 =	rddreg [dreg:$0x6]  }
0x177: {  	[hbm:s29@s1], [sflag:s13] =	dma.strided [spmem:s14@s30], $0x1400, s20, $0x8   }
0x178: {  	_ =	swait.ge [sflag:s10], $0x1400  }
0x179: {  	s4 =	sadd.s32 $0x1, s4;
	s31 =	rddreg [dreg:$0x7]  }
0x17a: {  	p0 =	sne.s32 s4, s31  }
.Ltmp4:
0x17b: {  	_ = 	snop;
	(pc) =	sbr.rel @p0 .LBB2_1-.Ltmp4, $3  }
0x17c: {  	_ =	sdelay $0x1  }
0x17d: {  	[sflag:s10] =	ssyncset.done $0x0  }
0x17e: {  	[sflag:s10] =	ssyncadd.s32 $0xFFFFEC00  }
0x17f: {  	_ =	sfence.sel $0x180000  }
0x180: {  	[bflag:$0x0] =	sbarrier.arrive $0xFFFF  }
0x181: {  	_ =	strace $0x9000004A  }
0x182: {  	s0 =	stileid.u32;
	[bflag:$0x2] =	sbarrier.arrive $0xFFFF  }
0x183: {  	p0 =	sne.s32 s0, $0x0;
	s0 =	rddreg [dreg:$0x3]  }
0x184: {  	s0 =	sadd.s32 @!p0 $0x100000, s0  }
0x185: {  	[sflag:s0] =	ssyncadd.tile.s32 @!p0 $0x1;
	_ =	shalt  }
.Lfunc_end2:
_tile_overlayer_lowered:
.L_overlay_start_2:
0x186: {  	(tag) =	ssettag $0x2  }
0x187: {  	s0 =	rddreg [dreg:$0x0];
	s2 =	stileid.u32  }
0x188: {  	s1 =	rddreg [dreg:$0x1];
	p0 =	sne.s32 s2, $0x0  }
0x189: {  	s3 =	rddreg [dreg:$0x2];
	[bflag:$0x3] =	sbarrier.arrive $0xFFFF;
	s2 =	simm.s32 @!p0 $0x1C09  }
0x18a: {  	[timem:s3], [sflag:s2] =	dma.local @!p0 [hbm:s0], s1  }
0x18b: {  	s0 =	simm.s32 @!p0 $0x9  }
0x18c: {  	_ =	swait.ge @!p0 [sflag:s0], s1  }
0x18d: {  	s1 =	ssub.s32 @!p0 $0x0, s1;
	[sflag:s0] =	ssyncset.done @!p0 $0x0  }
0x18e: {  	[sflag:s0] =	ssyncadd.s32 @!p0 s1  }
0x18f: {  	[bflag:$0x3] =	sbarrier.arrive $0xFFFF  }
0x190: {  	_ =	shalt  }

// kernel: kernel.7.cloned.1.call-start
scs
__scs_entry_jumppad:
0x0: {  	(pc) =	sbr.rel $0x88, $3  }
0x1: {  	(tag) =	ssettag $0x0;
	lr =	simm.s32 $0x1  }
0x2: {  	[smem:$0x3F9D] =	sst lr;
	_ =	strace $0xD0000000  }
0x3: {  	_ = 	snop  }
0x4: {  	_ = 	snop  }
0x5: {  	_ = 	snop  }
0x6: {  	_ = 	snop  }
0x7: {  	_ = 	snop  }
__scs_overlays_trampoline_lowered:
0x8: {  	[smem:$0x3FAC] =	sst s0  }
0x9: {  	[smem:$0x3FAD] =	sst s1  }
0xa: {  	[smem:$0x3FAE] =	sst s2  }
0xb: {  	[smem:$0x3FAF] =	sst s3  }
0xc: {  	[smem:$0x3FB0] =	sst s4  }
0xd: {  	[smem:$0x3FB1] =	sst s5  }
0xe: {  	[smem:$0x3FB2] =	sst s6  }
0xf: {  	[smem:$0x3FB3] =	sst s7  }
0x10: {  	[smem:$0x3FB4] =	sst s8  }
0x11: {  	[smem:$0x3FB5] =	sst s9;
	s0 =	simm.s32 @!p0 $0x0  }
0x12: {  	s1 =	sld [smem:$0x3F9B];
	s0 =	simm.s32 @p0 $0x1  }
0x13: {  	[smem:$0x3FB6] =	sst s0;
	s0 =	simm.s32 @!p1 $0x0  }
0x14: {  	s2 =	sld [smem:$0x3F9A];
	s0 =	simm.s32 @p1 $0x1  }
0x15: {  	[smem:$0x3FB7] =	sst s0;
	s0 =	simm.s32 @!p2 $0x0  }
0x16: {  	s3 =	sld [smem:$0x3FDB];
	s0 =	simm.s32 @p2 $0x1  }
0x17: {  	s4 =	simm.s32 $0x1BF5;
	[smem:$0x3FB9] =	sst s0  }
0x18: {  	s0 =	sld [smem:$0x3F9C];
	_ =	swait.ge [sflag:s4], $0x0  }
0x19: {  	s7 =	sld [smem:$0x3F9D]  }
0x1a: {  	s8 =	sadd.s32 $0xFFFFE003, lr  }
0x1b: {  	s9 =	sadd.s32 $0xFFFFFEF7, lr;
	s5 =	simm.s32 $0xFFFFFFFF;
	p2 =	slt.u32 s8, $0xFFFFF086  }
0x1c: {  	p1 =	slt.u32 s9, $0xF7A;
	s5 =	simm.s32 @!p2 $0x0  }
0x1d: {  	s5 =	simm.s32 @p1 $0x1;
	p0 =	seq.s32 s7, s2  }
0x1e: {  	s7 =	smul.u32 @!p0 $0xF7A, s2;
	p2 =	seq.s32 @!p0 s5, $0x0  }
0x1f: {  	s9 =	smul.u32 $0xF7A, s1;
	s8 =	simm.s32 @!p0 $0x1BF5;
	p2 =	por !p2, p0  }
0x20: {  	[sflag:s8] =	ssyncset.s32 @!p0 $0xFFFFF086;
	s6 =	sadd.s32 @!p0 s3, s7;
	s7 =	simm.s32 @!p0 $0x108  }
0x21: {  	s3 =	sadd.s32 s3, s9;
	s6 =	sadd.s32 @!p0 $0x88, s6;
	s7 =	simm.s32 @p2 $0x1082  }
0x22: {  	[simem:s7], [sflag:s8] =	dma.local @!p0 [hbm:s6], $0xF7A  }
0x23: {  	s9 =	sor.u32 $0xD0000000, s2;
	s6 =	simm.s32 $0x108;
	_ =	swait.ge @!p0 [sflag:s8], $0x0  }
0x24: {  	s3 =	sadd.s32 $0x88, s3;
	s6 =	simm.s32 @!p1 $0x1082;
	[sflag:s4] =	ssyncset.s32 $0xFFFFF086  }
0x25: {  	[simem:s6], [sflag:s4] =	dma.local [hbm:s3], $0xF7A  }
0x26: {  	[smem:$0x3F9D] =	sst s1;
	(tag) =	ssettag s2;
	_ =	strace s9  }
0x27: {  	s1 =	sld [smem:$0x3FAD]  }
0x28: {  	s2 =	sld [smem:$0x3FAE]  }
0x29: {  	s4 =	sld [smem:$0x3FB0]  }
0x2a: {  	p0 =	seq.s32 s5, $0x0;
	s5 =	sld [smem:$0x3FB1]  }
0x2b: {  	s6 =	sld [smem:$0x3FB2]  }
0x2c: {  	s7 =	sld [smem:$0x3FB3]  }
0x2d: {  	s3 =	simm.s32 $0x108;
	s8 =	sld [smem:$0x3FB4]  }
0x2e: {  	s3 =	simm.s32 @!p0 $0x1082;
	s9 =	sld [smem:$0x3FB5]  }
0x2f: {  	lr =	sadd.s32 s0, s3;
	s0 =	sld [smem:$0x3FAC]  }
0x30: {  	s3 =	sld [smem:$0x3FAF]  }
0x31: {  	[smem:$0x3FB8] =	sst s10  }
0x32: {  	s10 =	sld [smem:$0x3FB6];
	_ =	sdelay $0x3  }
0x33: {  	p0 =	seq.s32 s10, $0x1;
	s10 =	sld [smem:$0x3FB8];
	_ =	sdelay $0x3  }
0x34: {  	[smem:$0x3FB8] =	sst s10  }
0x35: {  	s10 =	sld [smem:$0x3FB7];
	_ =	sdelay $0x3  }
0x36: {  	p1 =	seq.s32 s10, $0x1;
	s10 =	sld [smem:$0x3FB8];
	_ =	sdelay $0x3  }
0x37: {  	[smem:$0x3FB8] =	sst s10  }
0x38: {  	s10 =	sld [smem:$0x3FB9]  }
0x39: {  	_ = 	snop;
	(pc) =	sbr.ind lr, $3  }
0x3a: {  	_ = 	snop  }
0x3b: {  	_ = 	snop  }
0x3c: {  	p2 =	seq.s32 s10, $0x1;
	s10 =	sld [smem:$0x3FB8]  }
0x3d: {  	_ =	shalt  }
0x3e: {  	_ =	shalt  }
0x3f: {  	_ =	shalt  }
0x40: {  	_ =	shalt  }
0x41: {  	_ =	shalt  }
0x42: {  	_ =	shalt  }
0x43: {  	_ =	shalt  }
0x44: {  	_ =	shalt  }
0x45: {  	_ =	shalt  }
0x46: {  	_ =	shalt  }
0x47: {  	_ =	shalt  }
0x48: {  	_ =	shalt  }
0x49: {  	_ =	shalt  }
0x4a: {  	_ =	shalt  }
0x4b: {  	_ =	shalt  }
0x4c: {  	_ =	shalt  }
0x4d: {  	_ =	shalt  }
0x4e: {  	_ =	shalt  }
0x4f: {  	_ =	shalt  }
0x50: {  	_ =	shalt  }
0x51: {  	_ =	shalt  }
0x52: {  	_ =	shalt  }
0x53: {  	_ =	shalt  }
0x54: {  	_ =	shalt  }
0x55: {  	_ =	shalt  }
0x56: {  	_ =	shalt  }
0x57: {  	_ =	shalt  }
0x58: {  	_ =	shalt  }
0x59: {  	_ =	shalt  }
0x5a: {  	_ =	shalt  }
0x5b: {  	_ =	shalt  }
0x5c: {  	_ =	shalt  }
0x5d: {  	_ =	shalt  }
0x5e: {  	_ =	shalt  }
0x5f: {  	_ =	shalt  }
0x60: {  	_ =	shalt  }
0x61: {  	_ =	shalt  }
0x62: {  	_ =	shalt  }
0x63: {  	_ =	shalt  }
0x64: {  	_ =	shalt  }
0x65: {  	_ =	shalt  }
0x66: {  	_ =	shalt  }
0x67: {  	_ =	shalt  }
0x68: {  	_ =	shalt  }
0x69: {  	_ =	shalt  }
0x6a: {  	_ =	shalt  }
0x6b: {  	_ =	shalt  }
0x6c: {  	_ =	shalt  }
0x6d: {  	_ =	shalt  }
0x6e: {  	_ =	shalt  }
0x6f: {  	_ =	shalt  }
0x70: {  	_ =	shalt  }
0x71: {  	_ =	shalt  }
0x72: {  	_ =	shalt  }
0x73: {  	_ =	shalt  }
0x74: {  	_ =	shalt  }
0x75: {  	_ =	shalt  }
0x76: {  	_ =	shalt  }
0x77: {  	_ =	shalt  }
0x78: {  	_ =	shalt  }
0x79: {  	_ =	shalt  }
0x7a: {  	_ =	shalt  }
0x7b: {  	_ =	shalt  }
0x7c: {  	_ =	shalt  }
0x7d: {  	_ =	shalt  }
0x7e: {  	_ =	shalt  }
0x7f: {  	_ =	shalt  }
0x80: {  	_ =	shalt  }
0x81: {  	_ =	shalt  }
0x82: {  	_ =	shalt  }
0x83: {  	_ =	shalt  }
0x84: {  	_ =	shalt  }
0x85: {  	_ =	shalt  }
0x86: {  	_ =	shalt  }
0x87: {  	_ =	shalt  }
.Lfunc_end0:
.L_simem_size_0:
called_computation_lowered:
.L_overlay_start_0:
0x88: {  	s2 =	sld [smem:$0x3FD9]  }
0x89: {  	s3 =	sld [smem:$0x3FFE];
	_ =	sdelay $0x1  }
0x8a: {  	s1 =	srdreg.scid  }
0x8b: {  	s0 =	sand.u32 $0x1, s1  }
0x8c: {  	s16 =	sshll.u32 s0, $0xA;
	s2 =	sadd.s32 s3, s2  }
0x8d: {  	s2 =	sadd.s32 s2, s16  }
0x8e: {  	[smem:$0x3FC4] =	sst s2  }
0x8f: {  	_ = 	snop  }
0x90: {  	(tm) =	ssettm $0x1  }
0x91: {  	s17 =	sld [smem:$0x3FFB];
	_ =	sdelay $0x3  }
0x92: {  	_ =	strace s17  }
0x93: {  	s2 =	sld [smem:$0x3FFC];
	_ =	sdelay $0x3  }
0x94: {  	_ =	strace s2  }
0x95: {  	s2 =	sld [smem:$0x3FFD];
	_ =	sdelay $0x3  }
0x96: {  	_ =	strace s2  }
0x97: {  	_ =	strace $0x8FFFFFFF  }
0x98: {  	s18 =	sld [smem:$0x3FDB];
	_ =	sdelay $0x1  }
0x99: {  	s19 =	simm.s32 $_scs_section_size  }
0x9a: {  	s4 =	simm.s32 $_size__tile_overlayer_lowered;
	s5 =	simm.s32 $_tile_overlayer_lowered  }
0x9b: {  	s22 =	simm.s32 $0x1BFF;
	s21 =	sshll.u32 s5, $0x1;
	s2 =	sadd.s32 s19, s18  }
0x9c: {  	s6 =	simm.s32 $0x0;
	s20 =	sshll.u32 s4, $0x1;
	s4 =	sadd.s32 s21, s2  }
0x9d: {  	[timem:s6], [sflag:s22] =	dma.local [hbm:s4], s20  }
0x9e: {  	_ =	swait.ge [sflag:s22], s20  }
0x9f: {  	s3 =	ssub.s32 $0x0, s20;
	[sflag:s22] =	ssyncset.done $0x0  }
0xa0: {  	[sflag:s22] =	ssyncadd.s32 s3;
	_ =	sdelay $0x1  }
0xa1: {  	s23 =	simm.s32 $0x1B8B  }
0xa2: {  	_ =	swait.ge [sflag:s23], $0x1  }
0xa3: {  	[sflag:s23] =	ssyncset.done $0x0  }
0xa4: {  	s25 =	simm.s32 $0x1B8E;
	s24 =	sld [smem:$0x3FFE];
	[sflag:s23] =	ssyncadd.s32 $0xFFFFFFFF  }
0xa5: {  	s26 =	simm.s32 $execute0_lowered;
	[smem:$0x3FD2] =	sst s25  }
0xa6: {  	s4 =	sshll.u32 s26, $0x1;
	_ =	strace $0x80000046;
	[dreg:$0x1] =	wrdreg $0xFFFFFFFF  }
0xa7: {  	s28 =	simm.s32 $_size_execute0_lowered;
	s2 =	sadd.s32 s2, s4;
	[dreg:$0x0] =	wrdreg $0x0  }
0xa8: {  	s4 =	sshll.u32 s28, $0x1;
	[dreg:$0x2] =	wrdreg s2  }
0xa9: {  	[dreg:$0x3] =	wrdreg s4  }
0xaa: {  	[dreg:$0x4] =	wrdreg $0xC0  }
0xab: {  	_ =	task [dreg:s6], $0x5FFFF  }
0xac: {  	[dreg:$0x1] =	wrdreg $0xFFFFFFFF  }
0xad: {  	[dreg:$0x0] =	wrdreg $0x60  }
0xae: {  	[dreg:$0x2] =	wrdreg s24  }
0xaf: {  	[dreg:$0x3] =	wrdreg $0x16080  }
0xb0: {  	[dreg:$0x4] =	wrdreg $0x9  }
0xb1: {  	_ =	task.clear_ibuf [dreg:s6], $0x5FFFF;
	_ =	strace $0x90000046  }
0xb2: {  	s29 =	simm.s32 $0x9;
	_ =	strace $0x80000048  }
0xb3: {  	_ =	swait.ge [sflag:s29], $0x1  }
0xb4: {  	[sflag:s29] =	ssyncadd.s32 $0xFFFFFFFF  }
0xb5: {  	_ =	strace $0x90000048  }
0xb6: {  	_ =	sfence  }
0xb7: {  	s30 =	sld [smem:$0x0];
	_ =	sdelay $0x2  }
0xb8: {  	s31 =	sshll.u32 s1, $0xD;
	s1 =	sshrl.u32 s1, $0x2  }
0xb9: {  	s3 =	sand.u32 $0x4000, s31;
	s1 =	sadd.s32 s1, s30  }
0xba: {  	s0 =	sor.u32 s3, s0;
	s1 =	sshll.u32 s1, $0x11  }
0xbb: {  	s0 =	sor.u32 s1, s0  }
0xbc: {  	s0 =	sadd.s32 $0x8F2B, s0  }
0xbd: {  	[sflag:s0] =	ssyncadd.remote.s32 $0x1  }
0xbe: {  	_ =	sfence.sel $0xFFFF  }
0xbf: {  	[dreg:$0x0] =	wrdreg $0xFFFFFFFF;
	(pc) =	sbr.abs _section_cstart, $3  }
0xc0: {  	[dreg:$0x1] =	wrdreg $0xFFFFFFFF  }
0xc1: {  	_ =	task.clear_ibuf [dreg:s6], $0x2FFFF;
	_ =	strace $0x9FFFFFFF  }
0xc2: {  	(tm) =	ssettm $0x7FFFFFFF  }
0xc3: {  	_ =	shalt  }
tec
execute0_lowered:
.L_overlay_start_1:
0x0: {  	(tag) =	ssettag $0x1  }
0x1: {  	s6 =	rddreg [dreg:$0x0]  }
0x2: {  	s0 =	srdreg.scid;
	s2 =	rddreg [dreg:$0x1];
	s3 =	simm.s32 $0x0  }
0x3: {  	s12 =	simm.s32 $0x1388;
	s13 =	simm.s32 $0x1;
	s14 =	simm.s32 $0x10  }
0x4: {  	s15 =	simm.s32 $0x0;
	s4 =	sand.u32 $0x1, s0;
	s0 =	stileid.u32  }
0x5: {  	[smem:$0x7FF] =	sst s3;
	s5 =	sshll.u32 s4, $0x4;
	s8 =	smul.u32 $0x14000, s0  }
0x6: {  	s9 =	smul.u32 $0x2800, s0;
	s4 =	ssub.s32 $0x2, s4;
	s1 =	sor.u32 s0, s5  }
0x7: {  	s31 =	sshll.u32 s0, $0x6;
	s30 =	sshrl.u32 s4, $0x1;
	s7 =	smul.u32 $0x271, s1  }
0x8: {  	s1 =	rddreg [dreg:$0x2];
	_ =	strace $0x80000047;
	s5 =	sor.u32 s5, s8  }
0x9: {  	s29 =	sshrl.u32 s9, $0x3;
	s10 =	ssub.s32 s4, s30;
	s11 =	sadd.s32 s9, s2  }
0xa: {  	s9 =	sor.u32 $0x1C02, s31;
	s5 =	sshrl.u32 s5, $0x3;
	s8 =	sadd.s32 s29, s6  }
0xb: {  	s7 =	sadd.s32 s7, s6;
	s6 =	sadd.s32 s5, s6;
	s5 =	sadd.s32 $0xBE00, s8  }
0xc: {  	s8 =	simm.s32 $0x2;
	s4 =	sadd.s32 $0x2000, s7;
	s6 =	sadd.s32 $0x10E00, s6  }
0xd: {  	v0 =	vimm.f32 $1.000000000e+00;
	s7 =	smax.u32 s10, $0x1;
	s10 =	sshrl.u32 s11, $0x3;
	s11 =	simm.s32 $0x28  }
.LBB2_1:
0xe: {  	[tilespmem:s3], [sflag:$0x2] =	stream.linear.gather [hbm4b:s4+s3], $0x1388, $0x38;
	[tilespmem:$0x3E08] =	vst v63  }
0xf: {  	_ =	swait.ge [sflag:s8], $0x1388  }
0x10: {  	[sflag:s8] =	ssyncset.done $0x0  }
0x11: {  	[sflag:s8] =	ssyncadd.s32 $0xFFFFEC78  }
0x12: {  	[tilespmem:$0x1388] =	vst v0  }
0x13: {  	[tilespmem:$0x1398] =	vst v0  }
0x14: {  	[tilespmem:$0x13A8] =	vst v0  }
0x15: {  	[tilespmem:$0x13B8] =	vst v0  }
0x16: {  	[tilespmem:$0x13C8] =	vst v0  }
0x17: {  	[tilespmem:$0x13D8] =	vst v0  }
0x18: {  	[tilespmem:$0x13E8] =	vst v0  }
0x19: {  	[tilespmem:$0x13F8] =	vst v0  }
0x1a: {  	[tilespmem:$0x1408] =	vst v0  }
0x1b: {  	[tilespmem:$0x1418] =	vst v0  }
0x1c: {  	[tilespmem:$0x1428] =	vst v0  }
0x1d: {  	[tilespmem:$0x1438] =	vst v0  }
0x1e: {  	[tilespmem:$0x1448] =	vst v0  }
0x1f: {  	[tilespmem:$0x1458] =	vst v0  }
0x20: {  	[tilespmem:$0x1468] =	vst v0  }
0x21: {  	[tilespmem:$0x1478] =	vst v0  }
0x22: {  	[tilespmem:$0x1488] =	vst v0  }
0x23: {  	[tilespmem:$0x1498] =	vst v0  }
0x24: {  	[tilespmem:$0x14A8] =	vst v0  }
0x25: {  	[tilespmem:$0x14B8] =	vst v0  }
0x26: {  	[tilespmem:$0x14C8] =	vst v0  }
0x27: {  	[tilespmem:$0x14D8] =	vst v0  }
0x28: {  	[tilespmem:$0x14E8] =	vst v0  }
0x29: {  	[tilespmem:$0x14F8] =	vst v0  }
0x2a: {  	[tilespmem:$0x1508] =	vst v0  }
0x2b: {  	[tilespmem:$0x1518] =	vst v0  }
0x2c: {  	[tilespmem:$0x1528] =	vst v0  }
0x2d: {  	[tilespmem:$0x1538] =	vst v0  }
0x2e: {  	[tilespmem:$0x1548] =	vst v0  }
0x2f: {  	[tilespmem:$0x1558] =	vst v0  }
0x30: {  	[tilespmem:$0x1568] =	vst v0  }
0x31: {  	[tilespmem:$0x1578] =	vst v0  }
0x32: {  	[tilespmem:$0x1588] =	vst v0  }
0x33: {  	[tilespmem:$0x1598] =	vst v0  }
0x34: {  	[tilespmem:$0x15A8] =	vst v0  }
0x35: {  	[tilespmem:$0x15B8] =	vst v0  }
0x36: {  	[tilespmem:$0x15C8] =	vst v0  }
0x37: {  	[tilespmem:$0x15D8] =	vst v0  }
0x38: {  	[tilespmem:$0x15E8] =	vst v0  }
0x39: {  	[tilespmem:$0x15F8] =	vst v0  }
0x3a: {  	[spmem:s10], [sflag:s9] =	dma.local [hbm:s5], $0x500  }
0x3b: {  	_ =	swait.ge [sflag:s8], $0x500  }
0x3c: {  	[sflag:s8] =	ssyncset.done $0x0  }
0x3d: {  	[sflag:s8] =	ssyncadd.s32 $0xFFFFFB00  }
0x3e: {  	s16 =	simm.s32 $0x0;
	[bflag:$0x0] =	sbarrier.arrive $0xFFFF  }
.LBB2_2:
0x3f: {  	p0 =	sne.s32 s16, $0x4D80  }
.Ltmp0:
0x40: {  	_ = 	snop;
	(pc) =	sbr.rel @p0 .LBB2_2-.Ltmp0, $3  }
0x41: {  	_ =	sdelay $0x1  }
0x42: {  	s17 =	sshra.s32 s16, $0x2;
	s16 =	sadd.s32 $0xA0, s16  }
0x43: {  	[spmem:s2] =	stream.indirect.scatter.add.f32 [tilespmem:s12], [sflag:$0x1], $0x10, s17, s11, $0xb8;
	[tilespmem:$0x3E08] =	vst v63  }
0x44: {  	_ =	swait.ge [sflag:s13], $0x280  }
0x45: {  	s16 =	simm.s32 $0x7C;
	[sflag:s13] =	ssyncset.done $0x0  }
.LBB2_4:
0x46: {  	p0 =	sne.s32 s16, $0x1;
	s16 =	sadd.s32 $0xFFFFFFFF, s16;
	[sflag:s13] =	ssyncadd.s32 $0xFFFFFD80  }
.Ltmp1:
0x47: {  	(pc) =	sbr.rel @p0 .LBB2_4-.Ltmp1, $3  }
0x48: {  	_ =	sdelay $0x1  }
0x49: {  	_ =	swait.ge [sflag:s13], $0x280  }
0x4a: {  	[sflag:s13] =	ssyncset.done $0x0  }
0x4b: {  	s15 =	sadd.s32 $0x1, s15  }
0x4c: {  	[sflag:s13] =	ssyncadd.s32 $0xFFFFFD80;
	p0 =	sne.s32 s15, s7  }
.Ltmp2:
0x4d: {  	[bflag:$0x0] =	sbarrier.arrive $0xFFFF;
	(pc) =	sbr.rel @p0 .LBB2_1-.Ltmp2, $4  }
0x4e: {  	[hbm:s6@s14], [sflag:s9] =	dma.strided [spmem:s10@s8], $0x500, s13, $0x2   }
0x4f: {  	_ =	swait.ge [sflag:s8], $0x500  }
0x50: {  	[sflag:s8] =	ssyncset.done $0x0  }
0x51: {  	[sflag:s8] =	ssyncadd.s32 $0xFFFFFB00  }
0x52: {  	_ =	sfence.sel $0x180000  }
0x53: {  	[bflag:$0x0] =	sbarrier.arrive $0xFFFF  }
0x54: {  	p0 =	sne.s32 s0, $0x0;
	_ =	strace $0x90000047  }
0x55: {  	s0 =	sadd.s32 @!p0 $0x100000, s1;
	[bflag:$0x2] =	sbarrier.arrive $0xFFFF  }
0x56: {  	[sflag:s0] =	ssyncadd.tile.s32 @!p0 $0x1;
	_ =	shalt  }
.Lfunc_end2:
_tile_overlayer_lowered:
.L_overlay_start_2:
0x57: {  	(tag) =	ssettag $0x2  }
0x58: {  	s0 =	rddreg [dreg:$0x0];
	s2 =	stileid.u32  }
0x59: {  	s1 =	rddreg [dreg:$0x1];
	p0 =	sne.s32 s2, $0x0  }
0x5a: {  	s3 =	rddreg [dreg:$0x2];
	[bflag:$0x3] =	sbarrier.arrive $0xFFFF;
	s2 =	simm.s32 @!p0 $0x1C02  }
0x5b: {  	[timem:s3], [sflag:s2] =	dma.local @!p0 [hbm:s0], s1  }
0x5c: {  	s0 =	simm.s32 @!p0 $0x2  }
0x5d: {  	_ =	swait.ge @!p0 [sflag:s0], s1  }
0x5e: {  	s1 =	ssub.s32 @!p0 $0x0, s1;
	[sflag:s0] =	ssyncset.done @!p0 $0x0  }
0x5f: {  	[sflag:s0] =	ssyncadd.s32 @!p0 s1  }
0x60: {  	[bflag:$0x3] =	sbarrier.arrive $0xFFFF  }
0x61: {  	_ =	shalt  }

</sc_bundles>
